<compile_context>
chip_gen: v7x
topology: tpu7x:2x2x1
jax: 0.10.2.dev20260603
libtpu: 0.0.44.dev20260713+nightly
codegen_flags: <defaults>
</compile_context>

<pallas_src>
import functools

import jax
import jax.numpy as jnp
from jax import lax
from jax.experimental import pallas as pl
from jax.experimental.pallas import tpu as pltpu
from jax.experimental.pallas import tpu_sc as plsc

DIM_ = 64
NEMB_ = 512
NBATCH_ = 128
ROWS_ = NBATCH_ * NEMB_
TCB_ = 4
NW_ = 32
ROWS_PER_W_ = ROWS_ // NW_
NBUF_ = 4
PAD_ = 128
SC_CHUNK_ = 128
N_CHUNKS_ = ROWS_PER_W_ // SC_CHUNK_


def _tc_body(xt_ref, e_ref, idx_ref, dsum_ref):
    i = pl.program_id(0)
    e = e_ref[...]
    c = jnp.sum(e * e, axis=0, keepdims=True)
    jl = lax.broadcasted_iota(jnp.int32, (1, NEMB_), 1).astype(jnp.float32)
    for k in range(TCB_):
        p = xt_ref[pl.ds(k * DIM_, DIM_), :]
        xe = lax.dot_general(p, e, (((0,), (0,)), ((), ())),
                             preferred_element_type=jnp.float32)
        aa = jnp.transpose(jnp.sum(p * p, axis=0, keepdims=True))
        dist = aa - 2.0 * xe + c
        m = jnp.min(dist, axis=1, keepdims=True)
        masked = jnp.where(dist == m, jl, float(NEMB_))
        idx_ref[pl.ds(k * NEMB_, NEMB_)] = jnp.min(masked, axis=1).astype(jnp.int32)

        @pl.when((i == 0) & (k == 0))
        def _():
            dsum_ref[0, 0] = 0.0

        dsum_ref[0, 0] += jnp.sum(m)


def _tc_call(xt, embed):
    grid = NBATCH_ // TCB_
    return pl.pallas_call(
        _tc_body,
        grid=(grid,),
        in_specs=[
            pl.BlockSpec((TCB_ * DIM_, NEMB_), lambda i: (i, 0)),
            pl.BlockSpec((DIM_, NEMB_), lambda i: (0, 0)),
        ],
        out_specs=[
            pl.BlockSpec((TCB_ * NEMB_,), lambda i: (i,)),
            pl.BlockSpec(memory_space=pltpu.SMEM, block_shape=(1, 1),
                         index_map=lambda i: (0, 0)),
        ],
        out_shape=[
            jax.ShapeDtypeStruct((ROWS_,), jnp.int32),
            jax.ShapeDtypeStruct((1, 1), jnp.float32),
        ],
        name="vq_dist_argmin",
    )(xt, embed)


def _sc_gather_body(table_hbm, idx_hbm, out_hbm, table_sp, idx_v, *bufs):
    rows = bufs[0:NBUF_]
    gsem = bufs[NBUF_:2 * NBUF_]
    osem = bufs[2 * NBUF_:3 * NBUF_]
    nc = 2
    sid = lax.axis_index("s")
    wid = sid * nc + lax.axis_index("c")
    base = wid * ROWS_PER_W_

    @pl.when(sid == 0)
    def _():
        pltpu.sync_copy(table_hbm, table_sp)

    pltpu.sync_copy(idx_hbm.at[wid], idx_v)
    plsc.subcore_barrier()
    gcp = [None] * N_CHUNKS_
    ocp = [None] * N_CHUNKS_
    for c in range(min(NBUF_, N_CHUNKS_)):
        gcp[c] = pltpu.async_copy(table_sp.at[idx_v.at[c]], rows[c], gsem[c])
    for c in range(N_CHUNKS_):
        b = c % NBUF_
        gcp[c].wait()
        ocp[c] = pltpu.async_copy(
            rows[b], out_hbm.at[pl.ds(base + c * SC_CHUNK_, SC_CHUNK_)], osem[b])
        nxt = c + NBUF_
        if nxt < N_CHUNKS_:
            ocp[c].wait()
            gcp[nxt] = pltpu.async_copy(table_sp.at[idx_v.at[nxt]], rows[b], gsem[b])
    for c in range(max(0, N_CHUNKS_ - NBUF_), N_CHUNKS_):
        ocp[c].wait()


@functools.cache
def _sc_gather():
    return pl.kernel(
        _sc_gather_body,
        out_type=jax.ShapeDtypeStruct((ROWS_, PAD_), jnp.float32),
        mesh=plsc.VectorSubcoreMesh(core_axis_name="c", subcore_axis_name="s"),
        scratch_types=(
            [pltpu.VMEM_SHARED((NEMB_, PAD_), jnp.float32)]
            + [pltpu.VMEM((N_CHUNKS_, SC_CHUNK_), jnp.int32)]
            + [pltpu.VMEM((SC_CHUNK_, PAD_), jnp.float32) for _ in range(NBUF_)]
            + [pltpu.SemaphoreType.DMA for _ in range(2 * NBUF_)]
        ),
    )


def kernel(inp, embed):
    xt = jnp.transpose(inp, (0, 2, 1)).reshape(NBATCH_ * DIM_, NEMB_)
    idx, dsum = _tc_call(xt, embed)
    table = jnp.concatenate(
        [embed.T, jnp.zeros((NEMB_, PAD_ - DIM_), jnp.float32)], axis=1)
    qp = _sc_gather()(table, idx.reshape(NW_, N_CHUNKS_, SC_CHUNK_))
    quantize_st = qp[:, :DIM_].reshape(NBATCH_, 1, NEMB_, DIM_)
    diff = (1.25 / (ROWS_ * DIM_)) * dsum[0, 0]
    embed_ind = idx.reshape(NBATCH_, 1, NEMB_)
    return quantize_st, diff, embed_ind

# --- scband reference (transcript-rebuilt; emitter-appended) ---
"""Pipeline reference for scband-quantize-9517647527982 (READ-ONLY COPY).

The authoritative reference and input builder live on the scoring server;
editing this copy changes nothing except your own understanding.
"""

import jax, jax.numpy as jnp
import numpy as np

DIM = 64
N_EMBED = 512


def setup_inputs(seed: int = 0) -> dict:
    key = jax.random.key(seed)
    k1, k2 = jax.random.split(key)
    inp = jax.random.normal(k1, (128, 512, 64), dtype=jnp.float32)
    # learned/buffer parameter: codebook embed of shape (dim, n_embed), matching torch.randn(dim, n_embed)
    embed = jax.random.normal(k2, (DIM, N_EMBED), dtype=jnp.float32)
    return {"inp": inp, "embed": embed}


def reference(inp, embed):
    dim = embed.shape[0]
    n_embed = embed.shape[1]
    # input = inp.reshape(-1, 1, n_embed, dim)
    input_ = inp.reshape(-1, 1, n_embed, dim)
    flatten = input_.reshape(-1, dim)
    # dist = ||x||^2 - 2 x E + ||E||^2 (columnwise)
    dist = (
        jnp.sum(flatten * flatten, axis=1, keepdims=True)
        - 2.0 * (flatten @ embed)
        + jnp.sum(embed * embed, axis=0, keepdims=True)
    )
    embed_ind = jnp.argmax(-dist, axis=1)
    embed_ind = embed_ind.reshape(input_.shape[:-1])
    # embed_code: F.embedding(embed_id, embed.T) -> gather rows of embed.T
    quantize = jnp.take(embed.T, embed_ind, axis=0)
    diff = 0.25 * jnp.mean((jax.lax.stop_gradient(quantize) - input_) ** 2) + jnp.mean(
        (quantize - jax.lax.stop_gradient(input_)) ** 2
    )
    # straight-through estimator
    quantize_st = input_ + jax.lax.stop_gradient(quantize - input_)
    return quantize_st, diff, embed_ind

if __name__ == "__main__":
    import jax
    _d = setup_inputs()
    print(jax.jit(kernel)(*tuple(_d.values())))

</pallas_src>

<mosaic_0001>
#map = affine_map<(d0, d1) -> (0, 0)>
#map1 = affine_map<(d0, d1) -> (0, 0, 0)>
module attributes {stable_mosaic.version = 14 : i64} {
  func.func @_sc_gather_body(%arg0: i32, %arg1: i32, %arg2: memref<512x128xf32, #tpu.memory_space<hbm>>, %arg3: memref<32x16x128xi32, #tpu.memory_space<hbm>>, %arg4: memref<65536x128xf32, #tpu.memory_space<hbm>>, %arg5: memref<512x128xf32, #tpu.memory_space<vmem_shared>>, %arg6: memref<16x128xi32, #tpu.memory_space<vmem>>, %arg7: memref<128x128xf32, #tpu.memory_space<vmem>>, %arg8: memref<128x128xf32, #tpu.memory_space<vmem>>, %arg9: memref<128x128xf32, #tpu.memory_space<vmem>>, %arg10: memref<128x128xf32, #tpu.memory_space<vmem>>, %arg11: memref<!tpu.dma_semaphore, #tpu.memory_space<semaphore_mem>>, %arg12: memref<!tpu.dma_semaphore, #tpu.memory_space<semaphore_mem>>, %arg13: memref<!tpu.dma_semaphore, #tpu.memory_space<semaphore_mem>>, %arg14: memref<!tpu.dma_semaphore, #tpu.memory_space<semaphore_mem>>, %arg15: memref<!tpu.dma_semaphore, #tpu.memory_space<semaphore_mem>>, %arg16: memref<!tpu.dma_semaphore, #tpu.memory_space<semaphore_mem>>, %arg17: memref<!tpu.dma_semaphore, #tpu.memory_space<semaphore_mem>>, %arg18: memref<!tpu.dma_semaphore, #tpu.memory_space<semaphore_mem>>) attributes {dimension_semantics = [#tpu.dimension_semantics<core_parallel>, #tpu.dimension_semantics<subcore_parallel>], iteration_bounds = array<i64: 2, 16>, scalar_prefetch = 0 : i64, scratch_operands = 14 : i64, tpu.core_type = #tpu.core_type<sc_vector_subcore>, window_params = [{transform_indices = #map}, {transform_indices = #map1}, {transform_indices = #map}]} {
    %mul3A = arith.constant 2 : i32
    %mul3A_0 = arith.muli %arg1, %mul3A : i32
    %add3A = arith.addi %mul3A_0, %arg0 : i32
    %mul3A_1 = arith.constant 2048 : i32
    %mul3A_2 = arith.muli %add3A, %mul3A_1 : i32
    %eq3A = arith.constant 0 : i32
    %eq3A_3 = arith.cmpi eq, %arg1, %eq3A : i32
    %convert_element_type3A = arith.extui %eq3A_3 : i1 to i32
    %cond3A = arith.constant 0 : i32
    %cond3A_4 = arith.cmpi ne, %convert_element_type3A, %cond3A : i32
    scf.if %cond3A_4 {
      "tpu.region"() ({
        %run_scoped3A = tpu.sem_alloc : memref<!tpu.dma_semaphore, #tpu.memory_space<semaphore_mem>>
        tpu.enqueue_dma source(%arg2 : memref<512x128xf32, #tpu.memory_space<hbm>>) target(%arg5 : memref<512x128xf32, #tpu.memory_space<vmem_shared>>) target_semaphore(%run_scoped3A : memref<!tpu.dma_semaphore, #tpu.memory_space<semaphore_mem>>)
        tpu.wait_dma2 semaphore(%run_scoped3A : memref<!tpu.dma_semaphore, #tpu.memory_space<semaphore_mem>>) src(%arg2 : memref<512x128xf32, #tpu.memory_space<hbm>>) dst(%arg5 : memref<512x128xf32, #tpu.memory_space<vmem_shared>>)
        tpu.yield
      }) : () -> ()
    } else {
    }
    "tpu.region"() ({
      %run_scoped3A = tpu.sem_alloc : memref<!tpu.dma_semaphore, #tpu.memory_space<semaphore_mem>>
      %dma_start3A_387 = arith.constant 0 : i32
      %dma_start3A_388 = arith.constant 0 : i32
      %dma_start3A_389 = tpu.memref_slice %arg3[%add3A, %dma_start3A_387, %dma_start3A_388] : memref<32x16x128xi32, #tpu.memory_space<hbm>> -> memref<1x16x128xi32, #tpu.memory_space<hbm>>
      %dma_start3A_390 = tpu.memref_squeeze %dma_start3A_389 : memref<1x16x128xi32, #tpu.memory_space<hbm>> -> memref<16x128xi32, #tpu.memory_space<hbm>>
      %dma_start3A_391 = arith.constant 0 : i32
      %dma_start3A_392 = arith.constant 0 : i32
      %dma_start3A_393 = tpu.memref_slice %arg3[%add3A, %dma_start3A_391, %dma_start3A_392] : memref<32x16x128xi32, #tpu.memory_space<hbm>> -> memref<1x16x128xi32, #tpu.memory_space<hbm>>
      %dma_start3A_394 = tpu.memref_squeeze %dma_start3A_393 : memref<1x16x128xi32, #tpu.memory_space<hbm>> -> memref<16x128xi32, #tpu.memory_space<hbm>>
      tpu.enqueue_dma source(%dma_start3A_394 : memref<16x128xi32, #tpu.memory_space<hbm>>) target(%arg6 : memref<16x128xi32, #tpu.memory_space<vmem>>) target_semaphore(%run_scoped3A : memref<!tpu.dma_semaphore, #tpu.memory_space<semaphore_mem>>)
      %dma_wait3A_395 = arith.constant 0 : i32
      %dma_wait3A_396 = arith.constant 0 : i32
      %dma_wait3A_397 = tpu.memref_slice %arg3[%add3A, %dma_wait3A_395, %dma_wait3A_396] : memref<32x16x128xi32, #tpu.memory_space<hbm>> -> memref<1x16x128xi32, #tpu.memory_space<hbm>>
      %dma_wait3A_398 = tpu.memref_squeeze %dma_wait3A_397 : memref<1x16x128xi32, #tpu.memory_space<hbm>> -> memref<16x128xi32, #tpu.memory_space<hbm>>
      %dma_wait3A_399 = arith.constant 0 : i32
      %dma_wait3A_400 = arith.constant 0 : i32
      %dma_wait3A_401 = tpu.memref_slice %arg3[%add3A, %dma_wait3A_399, %dma_wait3A_400] : memref<32x16x128xi32, #tpu.memory_space<hbm>> -> memref<1x16x128xi32, #tpu.memory_space<hbm>>
      %dma_wait3A_402 = tpu.memref_squeeze %dma_wait3A_401 : memref<1x16x128xi32, #tpu.memory_space<hbm>> -> memref<16x128xi32, #tpu.memory_space<hbm>>
      tpu.wait_dma2 semaphore(%run_scoped3A : memref<!tpu.dma_semaphore, #tpu.memory_space<semaphore_mem>>) src(%dma_wait3A_402 : memref<16x128xi32, #tpu.memory_space<hbm>>) dst(%arg6 : memref<16x128xi32, #tpu.memory_space<vmem>>)
      tpu.yield
    }) : () -> ()
    %barrier3A = arith.constant 0 : index
    tpu.barrier barrier_id(%barrier3A)
    %dma_start3A = arith.constant 0 : i32
    %dma_start3A_5 = arith.constant 0 : i32
    %dma_start3A_6 = tpu.memref_slice %arg6[%dma_start3A, %dma_start3A_5] : memref<16x128xi32, #tpu.memory_space<vmem>> -> memref<1x128xi32, #tpu.memory_space<vmem>>
    %dma_start3A_7 = tpu.memref_squeeze %dma_start3A_6 : memref<1x128xi32, #tpu.memory_space<vmem>> -> memref<128xi32, #tpu.memory_space<vmem>>
    %dma_start3A_8 = arith.constant 0 : i32
    %dma_start3A_9 = arith.constant 0 : i32
    %dma_start3A_10 = tpu.memref_slice %arg5[%dma_start3A_8, %dma_start3A_9] : memref<512x128xf32, #tpu.memory_space<vmem_shared>> -> memref<512x128xf32, #tpu.memory_space<vmem_shared>>
    tpu.enqueue_indirect_dma source(%dma_start3A_10 : memref<512x128xf32, #tpu.memory_space<vmem_shared>>) target(%arg7 : memref<128x128xf32, #tpu.memory_space<vmem>>) offsets(%dma_start3A_7 : memref<128xi32, #tpu.memory_space<vmem>>) semaphore(%arg11 : memref<!tpu.dma_semaphore, #tpu.memory_space<semaphore_mem>>)
    %dma_start3A_11 = arith.constant 1 : i32
    %dma_start3A_12 = arith.constant 0 : i32
    %dma_start3A_13 = tpu.memref_slice %arg6[%dma_start3A_11, %dma_start3A_12] : memref<16x128xi32, #tpu.memory_space<vmem>> -> memref<1x128xi32, #tpu.memory_space<vmem>>
    %dma_start3A_14 = tpu.memref_squeeze %dma_start3A_13 : memref<1x128xi32, #tpu.memory_space<vmem>> -> memref<128xi32, #tpu.memory_space<vmem>>
    %dma_start3A_15 = arith.constant 0 : i32
    %dma_start3A_16 = arith.constant 0 : i32
    %dma_start3A_17 = tpu.memref_slice %arg5[%dma_start3A_15, %dma_start3A_16] : memref<512x128xf32, #tpu.memory_space<vmem_shared>> -> memref<512x128xf32, #tpu.memory_space<vmem_shared>>
    tpu.enqueue_indirect_dma source(%dma_start3A_17 : memref<512x128xf32, #tpu.memory_space<vmem_shared>>) target(%arg8 : memref<128x128xf32, #tpu.memory_space<vmem>>) offsets(%dma_start3A_14 : memref<128xi32, #tpu.memory_space<vmem>>) semaphore(%arg12 : memref<!tpu.dma_semaphore, #tpu.memory_space<semaphore_mem>>)
    %dma_start3A_18 = arith.constant 2 : i32
    %dma_start3A_19 = arith.constant 0 : i32
    %dma_start3A_20 = tpu.memref_slice %arg6[%dma_start3A_18, %dma_start3A_19] : memref<16x128xi32, #tpu.memory_space<vmem>> -> memref<1x128xi32, #tpu.memory_space<vmem>>
    %dma_start3A_21 = tpu.memref_squeeze %dma_start3A_20 : memref<1x128xi32, #tpu.memory_space<vmem>> -> memref<128xi32, #tpu.memory_space<vmem>>
    %dma_start3A_22 = arith.constant 0 : i32
    %dma_start3A_23 = arith.constant 0 : i32
    %dma_start3A_24 = tpu.memref_slice %arg5[%dma_start3A_22, %dma_start3A_23] : memref<512x128xf32, #tpu.memory_space<vmem_shared>> -> memref<512x128xf32, #tpu.memory_space<vmem_shared>>
    tpu.enqueue_indirect_dma source(%dma_start3A_24 : memref<512x128xf32, #tpu.memory_space<vmem_shared>>) target(%arg9 : memref<128x128xf32, #tpu.memory_space<vmem>>) offsets(%dma_start3A_21 : memref<128xi32, #tpu.memory_space<vmem>>) semaphore(%arg13 : memref<!tpu.dma_semaphore, #tpu.memory_space<semaphore_mem>>)
    %dma_start3A_25 = arith.constant 3 : i32
    %dma_start3A_26 = arith.constant 0 : i32
    %dma_start3A_27 = tpu.memref_slice %arg6[%dma_start3A_25, %dma_start3A_26] : memref<16x128xi32, #tpu.memory_space<vmem>> -> memref<1x128xi32, #tpu.memory_space<vmem>>
    %dma_start3A_28 = tpu.memref_squeeze %dma_start3A_27 : memref<1x128xi32, #tpu.memory_space<vmem>> -> memref<128xi32, #tpu.memory_space<vmem>>
    %dma_start3A_29 = arith.constant 0 : i32
    %dma_start3A_30 = arith.constant 0 : i32
    %dma_start3A_31 = tpu.memref_slice %arg5[%dma_start3A_29, %dma_start3A_30] : memref<512x128xf32, #tpu.memory_space<vmem_shared>> -> memref<512x128xf32, #tpu.memory_space<vmem_shared>>
    tpu.enqueue_indirect_dma source(%dma_start3A_31 : memref<512x128xf32, #tpu.memory_space<vmem_shared>>) target(%arg10 : memref<128x128xf32, #tpu.memory_space<vmem>>) offsets(%dma_start3A_28 : memref<128xi32, #tpu.memory_space<vmem>>) semaphore(%arg14 : memref<!tpu.dma_semaphore, #tpu.memory_space<semaphore_mem>>)
    %dma_wait3A = arith.constant 0 : i32
    %dma_wait3A_32 = arith.constant 0 : i32
    %dma_wait3A_33 = tpu.memref_slice %arg6[%dma_wait3A, %dma_wait3A_32] : memref<16x128xi32, #tpu.memory_space<vmem>> -> memref<1x128xi32, #tpu.memory_space<vmem>>
    %dma_wait3A_34 = tpu.memref_squeeze %dma_wait3A_33 : memref<1x128xi32, #tpu.memory_space<vmem>> -> memref<128xi32, #tpu.memory_space<vmem>>
    %dma_wait3A_35 = arith.constant 0 : i32
    %dma_wait3A_36 = arith.constant 0 : i32
    %dma_wait3A_37 = tpu.memref_slice %arg5[%dma_wait3A_35, %dma_wait3A_36] : memref<512x128xf32, #tpu.memory_space<vmem_shared>> -> memref<512x128xf32, #tpu.memory_space<vmem_shared>>
    tpu.wait_indirect_dma semaphore(%arg11 : memref<!tpu.dma_semaphore, #tpu.memory_space<semaphore_mem>>) src(%dma_wait3A_37 : memref<512x128xf32, #tpu.memory_space<vmem_shared>>) dst(%arg7 : memref<128x128xf32, #tpu.memory_space<vmem>>)
    %add3A_38 = arith.constant 0 : i32
    %add3A_39 = arith.addi %mul3A_2, %add3A_38 : i32
    %dma_start3A_40 = arith.constant 0 : i32
    %dma_start3A_41 = tpu.memref_slice %arg4[%add3A_39, %dma_start3A_40] : memref<65536x128xf32, #tpu.memory_space<hbm>> -> memref<128x128xf32, #tpu.memory_space<hbm>>
    %dma_start3A_42 = arith.constant 0 : i32
    %dma_start3A_43 = tpu.memref_slice %arg4[%add3A_39, %dma_start3A_42] : memref<65536x128xf32, #tpu.memory_space<hbm>> -> memref<128x128xf32, #tpu.memory_space<hbm>>
    tpu.enqueue_dma source(%arg7 : memref<128x128xf32, #tpu.memory_space<vmem>>) target(%dma_start3A_43 : memref<128x128xf32, #tpu.memory_space<hbm>>) target_semaphore(%arg15 : memref<!tpu.dma_semaphore, #tpu.memory_space<semaphore_mem>>)
    %dma_wait3A_44 = arith.constant 0 : i32
    %dma_wait3A_45 = tpu.memref_slice %arg4[%add3A_39, %dma_wait3A_44] : memref<65536x128xf32, #tpu.memory_space<hbm>> -> memref<128x128xf32, #tpu.memory_space<hbm>>
    %dma_wait3A_46 = arith.constant 0 : i32
    %dma_wait3A_47 = tpu.memref_slice %arg4[%add3A_39, %dma_wait3A_46] : memref<65536x128xf32, #tpu.memory_space<hbm>> -> memref<128x128xf32, #tpu.memory_space<hbm>>
    tpu.wait_dma2 semaphore(%arg15 : memref<!tpu.dma_semaphore, #tpu.memory_space<semaphore_mem>>) src(%arg7 : memref<128x128xf32, #tpu.memory_space<vmem>>) dst(%dma_wait3A_47 : memref<128x128xf32, #tpu.memory_space<hbm>>)
    %dma_start3A_48 = arith.constant 4 : i32
    %dma_start3A_49 = arith.constant 0 : i32
    %dma_start3A_50 = tpu.memref_slice %arg6[%dma_start3A_48, %dma_start3A_49] : memref<16x128xi32, #tpu.memory_space<vmem>> -> memref<1x128xi32, #tpu.memory_space<vmem>>
    %dma_start3A_51 = tpu.memref_squeeze %dma_start3A_50 : memref<1x128xi32, #tpu.memory_space<vmem>> -> memref<128xi32, #tpu.memory_space<vmem>>
    %dma_start3A_52 = arith.constant 0 : i32
    %dma_start3A_53 = arith.constant 0 : i32
    %dma_start3A_54 = tpu.memref_slice %arg5[%dma_start3A_52, %dma_start3A_53] : memref<512x128xf32, #tpu.memory_space<vmem_shared>> -> memref<512x128xf32, #tpu.memory_space<vmem_shared>>
    tpu.enqueue_indirect_dma source(%dma_start3A_54 : memref<512x128xf32, #tpu.memory_space<vmem_shared>>) target(%arg7 : memref<128x128xf32, #tpu.memory_space<vmem>>) offsets(%dma_start3A_51 : memref<128xi32, #tpu.memory_space<vmem>>) semaphore(%arg11 : memref<!tpu.dma_semaphore, #tpu.memory_space<semaphore_mem>>)
    %dma_wait3A_55 = arith.constant 1 : i32
    %dma_wait3A_56 = arith.constant 0 : i32
    %dma_wait3A_57 = tpu.memref_slice %arg6[%dma_wait3A_55, %dma_wait3A_56] : memref<16x128xi32, #tpu.memory_space<vmem>> -> memref<1x128xi32, #tpu.memory_space<vmem>>
    %dma_wait3A_58 = tpu.memref_squeeze %dma_wait3A_57 : memref<1x128xi32, #tpu.memory_space<vmem>> -> memref<128xi32, #tpu.memory_space<vmem>>
    %dma_wait3A_59 = arith.constant 0 : i32
    %dma_wait3A_60 = arith.constant 0 : i32
    %dma_wait3A_61 = tpu.memref_slice %arg5[%dma_wait3A_59, %dma_wait3A_60] : memref<512x128xf32, #tpu.memory_space<vmem_shared>> -> memref<512x128xf32, #tpu.memory_space<vmem_shared>>
    tpu.wait_indirect_dma semaphore(%arg12 : memref<!tpu.dma_semaphore, #tpu.memory_space<semaphore_mem>>) src(%dma_wait3A_61 : memref<512x128xf32, #tpu.memory_space<vmem_shared>>) dst(%arg8 : memref<128x128xf32, #tpu.memory_space<vmem>>)
    %add3A_62 = arith.constant 128 : i32
    %add3A_63 = arith.addi %mul3A_2, %add3A_62 : i32
    %dma_start3A_64 = arith.constant 0 : i32
    %dma_start3A_65 = tpu.memref_slice %arg4[%add3A_63, %dma_start3A_64] : memref<65536x128xf32, #tpu.memory_space<hbm>> -> memref<128x128xf32, #tpu.memory_space<hbm>>
    %dma_start3A_66 = arith.constant 0 : i32
    %dma_start3A_67 = tpu.memref_slice %arg4[%add3A_63, %dma_start3A_66] : memref<65536x128xf32, #tpu.memory_space<hbm>> -> memref<128x128xf32, #tpu.memory_space<hbm>>
    tpu.enqueue_dma source(%arg8 : memref<128x128xf32, #tpu.memory_space<vmem>>) target(%dma_start3A_67 : memref<128x128xf32, #tpu.memory_space<hbm>>) target_semaphore(%arg16 : memref<!tpu.dma_semaphore, #tpu.memory_space<semaphore_mem>>)
    %dma_wait3A_68 = arith.constant 0 : i32
    %dma_wait3A_69 = tpu.memref_slice %arg4[%add3A_63, %dma_wait3A_68] : memref<65536x128xf32, #tpu.memory_space<hbm>> -> memref<128x128xf32, #tpu.memory_space<hbm>>
    %dma_wait3A_70 = arith.constant 0 : i32
    %dma_wait3A_71 = tpu.memref_slice %arg4[%add3A_63, %dma_wait3A_70] : memref<65536x128xf32, #tpu.memory_space<hbm>> -> memref<128x128xf32, #tpu.memory_space<hbm>>
    tpu.wait_dma2 semaphore(%arg16 : memref<!tpu.dma_semaphore, #tpu.memory_space<semaphore_mem>>) src(%arg8 : memref<128x128xf32, #tpu.memory_space<vmem>>) dst(%dma_wait3A_71 : memref<128x128xf32, #tpu.memory_space<hbm>>)
    %dma_start3A_72 = arith.constant 5 : i32
    %dma_start3A_73 = arith.constant 0 : i32
    %dma_start3A_74 = tpu.memref_slice %arg6[%dma_start3A_72, %dma_start3A_73] : memref<16x128xi32, #tpu.memory_space<vmem>> -> memref<1x128xi32, #tpu.memory_space<vmem>>
    %dma_start3A_75 = tpu.memref_squeeze %dma_start3A_74 : memref<1x128xi32, #tpu.memory_space<vmem>> -> memref<128xi32, #tpu.memory_space<vmem>>
    %dma_start3A_76 = arith.constant 0 : i32
    %dma_start3A_77 = arith.constant 0 : i32
    %dma_start3A_78 = tpu.memref_slice %arg5[%dma_start3A_76, %dma_start3A_77] : memref<512x128xf32, #tpu.memory_space<vmem_shared>> -> memref<512x128xf32, #tpu.memory_space<vmem_shared>>
    tpu.enqueue_indirect_dma source(%dma_start3A_78 : memref<512x128xf32, #tpu.memory_space<vmem_shared>>) target(%arg8 : memref<128x128xf32, #tpu.memory_space<vmem>>) offsets(%dma_start3A_75 : memref<128xi32, #tpu.memory_space<vmem>>) semaphore(%arg12 : memref<!tpu.dma_semaphore, #tpu.memory_space<semaphore_mem>>)
    %dma_wait3A_79 = arith.constant 2 : i32
    %dma_wait3A_80 = arith.constant 0 : i32
    %dma_wait3A_81 = tpu.memref_slice %arg6[%dma_wait3A_79, %dma_wait3A_80] : memref<16x128xi32, #tpu.memory_space<vmem>> -> memref<1x128xi32, #tpu.memory_space<vmem>>
    %dma_wait3A_82 = tpu.memref_squeeze %dma_wait3A_81 : memref<1x128xi32, #tpu.memory_space<vmem>> -> memref<128xi32, #tpu.memory_space<vmem>>
    %dma_wait3A_83 = arith.constant 0 : i32
    %dma_wait3A_84 = arith.constant 0 : i32
    %dma_wait3A_85 = tpu.memref_slice %arg5[%dma_wait3A_83, %dma_wait3A_84] : memref<512x128xf32, #tpu.memory_space<vmem_shared>> -> memref<512x128xf32, #tpu.memory_space<vmem_shared>>
    tpu.wait_indirect_dma semaphore(%arg13 : memref<!tpu.dma_semaphore, #tpu.memory_space<semaphore_mem>>) src(%dma_wait3A_85 : memref<512x128xf32, #tpu.memory_space<vmem_shared>>) dst(%arg9 : memref<128x128xf32, #tpu.memory_space<vmem>>)
    %add3A_86 = arith.constant 256 : i32
    %add3A_87 = arith.addi %mul3A_2, %add3A_86 : i32
    %dma_start3A_88 = arith.constant 0 : i32
    %dma_start3A_89 = tpu.memref_slice %arg4[%add3A_87, %dma_start3A_88] : memref<65536x128xf32, #tpu.memory_space<hbm>> -> memref<128x128xf32, #tpu.memory_space<hbm>>
    %dma_start3A_90 = arith.constant 0 : i32
    %dma_start3A_91 = tpu.memref_slice %arg4[%add3A_87, %dma_start3A_90] : memref<65536x128xf32, #tpu.memory_space<hbm>> -> memref<128x128xf32, #tpu.memory_space<hbm>>
    tpu.enqueue_dma source(%arg9 : memref<128x128xf32, #tpu.memory_space<vmem>>) target(%dma_start3A_91 : memref<128x128xf32, #tpu.memory_space<hbm>>) target_semaphore(%arg17 : memref<!tpu.dma_semaphore, #tpu.memory_space<semaphore_mem>>)
    %dma_wait3A_92 = arith.constant 0 : i32
    %dma_wait3A_93 = tpu.memref_slice %arg4[%add3A_87, %dma_wait3A_92] : memref<65536x128xf32, #tpu.memory_space<hbm>> -> memref<128x128xf32, #tpu.memory_space<hbm>>
    %dma_wait3A_94 = arith.constant 0 : i32
    %dma_wait3A_95 = tpu.memref_slice %arg4[%add3A_87, %dma_wait3A_94] : memref<65536x128xf32, #tpu.memory_space<hbm>> -> memref<128x128xf32, #tpu.memory_space<hbm>>
    tpu.wait_dma2 semaphore(%arg17 : memref<!tpu.dma_semaphore, #tpu.memory_space<semaphore_mem>>) src(%arg9 : memref<128x128xf32, #tpu.memory_space<vmem>>) dst(%dma_wait3A_95 : memref<128x128xf32, #tpu.memory_space<hbm>>)
    %dma_start3A_96 = arith.constant 6 : i32
    %dma_start3A_97 = arith.constant 0 : i32
    %dma_start3A_98 = tpu.memref_slice %arg6[%dma_start3A_96, %dma_start3A_97] : memref<16x128xi32, #tpu.memory_space<vmem>> -> memref<1x128xi32, #tpu.memory_space<vmem>>
    %dma_start3A_99 = tpu.memref_squeeze %dma_start3A_98 : memref<1x128xi32, #tpu.memory_space<vmem>> -> memref<128xi32, #tpu.memory_space<vmem>>
    %dma_start3A_100 = arith.constant 0 : i32
    %dma_start3A_101 = arith.constant 0 : i32
    %dma_start3A_102 = tpu.memref_slice %arg5[%dma_start3A_100, %dma_start3A_101] : memref<512x128xf32, #tpu.memory_space<vmem_shared>> -> memref<512x128xf32, #tpu.memory_space<vmem_shared>>
    tpu.enqueue_indirect_dma source(%dma_start3A_102 : memref<512x128xf32, #tpu.memory_space<vmem_shared>>) target(%arg9 : memref<128x128xf32, #tpu.memory_space<vmem>>) offsets(%dma_start3A_99 : memref<128xi32, #tpu.memory_space<vmem>>) semaphore(%arg13 : memref<!tpu.dma_semaphore, #tpu.memory_space<semaphore_mem>>)
    %dma_wait3A_103 = arith.constant 3 : i32
    %dma_wait3A_104 = arith.constant 0 : i32
    %dma_wait3A_105 = tpu.memref_slice %arg6[%dma_wait3A_103, %dma_wait3A_104] : memref<16x128xi32, #tpu.memory_space<vmem>> -> memref<1x128xi32, #tpu.memory_space<vmem>>
    %dma_wait3A_106 = tpu.memref_squeeze %dma_wait3A_105 : memref<1x128xi32, #tpu.memory_space<vmem>> -> memref<128xi32, #tpu.memory_space<vmem>>
    %dma_wait3A_107 = arith.constant 0 : i32
    %dma_wait3A_108 = arith.constant 0 : i32
    %dma_wait3A_109 = tpu.memref_slice %arg5[%dma_wait3A_107, %dma_wait3A_108] : memref<512x128xf32, #tpu.memory_space<vmem_shared>> -> memref<512x128xf32, #tpu.memory_space<vmem_shared>>
    tpu.wait_indirect_dma semaphore(%arg14 : memref<!tpu.dma_semaphore, #tpu.memory_space<semaphore_mem>>) src(%dma_wait3A_109 : memref<512x128xf32, #tpu.memory_space<vmem_shared>>) dst(%arg10 : memref<128x128xf32, #tpu.memory_space<vmem>>)
    %add3A_110 = arith.constant 384 : i32
    %add3A_111 = arith.addi %mul3A_2, %add3A_110 : i32
    %dma_start3A_112 = arith.constant 0 : i32
    %dma_start3A_113 = tpu.memref_slice %arg4[%add3A_111, %dma_start3A_112] : memref<65536x128xf32, #tpu.memory_space<hbm>> -> memref<128x128xf32, #tpu.memory_space<hbm>>
    %dma_start3A_114 = arith.constant 0 : i32
    %dma_start3A_115 = tpu.memref_slice %arg4[%add3A_111, %dma_start3A_114] : memref<65536x128xf32, #tpu.memory_space<hbm>> -> memref<128x128xf32, #tpu.memory_space<hbm>>
    tpu.enqueue_dma source(%arg10 : memref<128x128xf32, #tpu.memory_space<vmem>>) target(%dma_start3A_115 : memref<128x128xf32, #tpu.memory_space<hbm>>) target_semaphore(%arg18 : memref<!tpu.dma_semaphore, #tpu.memory_space<semaphore_mem>>)
    %dma_wait3A_116 = arith.constant 0 : i32
    %dma_wait3A_117 = tpu.memref_slice %arg4[%add3A_111, %dma_wait3A_116] : memref<65536x128xf32, #tpu.memory_space<hbm>> -> memref<128x128xf32, #tpu.memory_space<hbm>>
    %dma_wait3A_118 = arith.constant 0 : i32
    %dma_wait3A_119 = tpu.memref_slice %arg4[%add3A_111, %dma_wait3A_118] : memref<65536x128xf32, #tpu.memory_space<hbm>> -> memref<128x128xf32, #tpu.memory_space<hbm>>
    tpu.wait_dma2 semaphore(%arg18 : memref<!tpu.dma_semaphore, #tpu.memory_space<semaphore_mem>>) src(%arg10 : memref<128x128xf32, #tpu.memory_space<vmem>>) dst(%dma_wait3A_119 : memref<128x128xf32, #tpu.memory_space<hbm>>)
    %dma_start3A_120 = arith.constant 7 : i32
    %dma_start3A_121 = arith.constant 0 : i32
    %dma_start3A_122 = tpu.memref_slice %arg6[%dma_start3A_120, %dma_start3A_121] : memref<16x128xi32, #tpu.memory_space<vmem>> -> memref<1x128xi32, #tpu.memory_space<vmem>>
    %dma_start3A_123 = tpu.memref_squeeze %dma_start3A_122 : memref<1x128xi32, #tpu.memory_space<vmem>> -> memref<128xi32, #tpu.memory_space<vmem>>
    %dma_start3A_124 = arith.constant 0 : i32
    %dma_start3A_125 = arith.constant 0 : i32
    %dma_start3A_126 = tpu.memref_slice %arg5[%dma_start3A_124, %dma_start3A_125] : memref<512x128xf32, #tpu.memory_space<vmem_shared>> -> memref<512x128xf32, #tpu.memory_space<vmem_shared>>
    tpu.enqueue_indirect_dma source(%dma_start3A_126 : memref<512x128xf32, #tpu.memory_space<vmem_shared>>) target(%arg10 : memref<128x128xf32, #tpu.memory_space<vmem>>) offsets(%dma_start3A_123 : memref<128xi32, #tpu.memory_space<vmem>>) semaphore(%arg14 : memref<!tpu.dma_semaphore, #tpu.memory_space<semaphore_mem>>)
    %dma_wait3A_127 = arith.constant 4 : i32
    %dma_wait3A_128 = arith.constant 0 : i32
    %dma_wait3A_129 = tpu.memref_slice %arg6[%dma_wait3A_127, %dma_wait3A_128] : memref<16x128xi32, #tpu.memory_space<vmem>> -> memref<1x128xi32, #tpu.memory_space<vmem>>
    %dma_wait3A_130 = tpu.memref_squeeze %dma_wait3A_129 : memref<1x128xi32, #tpu.memory_space<vmem>> -> memref<128xi32, #tpu.memory_space<vmem>>
    %dma_wait3A_131 = arith.constant 0 : i32
    %dma_wait3A_132 = arith.constant 0 : i32
    %dma_wait3A_133 = tpu.memref_slice %arg5[%dma_wait3A_131, %dma_wait3A_132] : memref<512x128xf32, #tpu.memory_space<vmem_shared>> -> memref<512x128xf32, #tpu.memory_space<vmem_shared>>
    tpu.wait_indirect_dma semaphore(%arg11 : memref<!tpu.dma_semaphore, #tpu.memory_space<semaphore_mem>>) src(%dma_wait3A_133 : memref<512x128xf32, #tpu.memory_space<vmem_shared>>) dst(%arg7 : memref<128x128xf32, #tpu.memory_space<vmem>>)
    %add3A_134 = arith.constant 512 : i32
    %add3A_135 = arith.addi %mul3A_2, %add3A_134 : i32
    %dma_start3A_136 = arith.constant 0 : i32
    %dma_start3A_137 = tpu.memref_slice %arg4[%add3A_135, %dma_start3A_136] : memref<65536x128xf32, #tpu.memory_space<hbm>> -> memref<128x128xf32, #tpu.memory_space<hbm>>
    %dma_start3A_138 = arith.constant 0 : i32
    %dma_start3A_139 = tpu.memref_slice %arg4[%add3A_135, %dma_start3A_138] : memref<65536x128xf32, #tpu.memory_space<hbm>> -> memref<128x128xf32, #tpu.memory_space<hbm>>
    tpu.enqueue_dma source(%arg7 : memref<128x128xf32, #tpu.memory_space<vmem>>) target(%dma_start3A_139 : memref<128x128xf32, #tpu.memory_space<hbm>>) target_semaphore(%arg15 : memref<!tpu.dma_semaphore, #tpu.memory_space<semaphore_mem>>)
    %dma_wait3A_140 = arith.constant 0 : i32
    %dma_wait3A_141 = tpu.memref_slice %arg4[%add3A_135, %dma_wait3A_140] : memref<65536x128xf32, #tpu.memory_space<hbm>> -> memref<128x128xf32, #tpu.memory_space<hbm>>
    %dma_wait3A_142 = arith.constant 0 : i32
    %dma_wait3A_143 = tpu.memref_slice %arg4[%add3A_135, %dma_wait3A_142] : memref<65536x128xf32, #tpu.memory_space<hbm>> -> memref<128x128xf32, #tpu.memory_space<hbm>>
    tpu.wait_dma2 semaphore(%arg15 : memref<!tpu.dma_semaphore, #tpu.memory_space<semaphore_mem>>) src(%arg7 : memref<128x128xf32, #tpu.memory_space<vmem>>) dst(%dma_wait3A_143 : memref<128x128xf32, #tpu.memory_space<hbm>>)
    %dma_start3A_144 = arith.constant 8 : i32
    %dma_start3A_145 = arith.constant 0 : i32
    %dma_start3A_146 = tpu.memref_slice %arg6[%dma_start3A_144, %dma_start3A_145] : memref<16x128xi32, #tpu.memory_space<vmem>> -> memref<1x128xi32, #tpu.memory_space<vmem>>
    %dma_start3A_147 = tpu.memref_squeeze %dma_start3A_146 : memref<1x128xi32, #tpu.memory_space<vmem>> -> memref<128xi32, #tpu.memory_space<vmem>>
    %dma_start3A_148 = arith.constant 0 : i32
    %dma_start3A_149 = arith.constant 0 : i32
    %dma_start3A_150 = tpu.memref_slice %arg5[%dma_start3A_148, %dma_start3A_149] : memref<512x128xf32, #tpu.memory_space<vmem_shared>> -> memref<512x128xf32, #tpu.memory_space<vmem_shared>>
    tpu.enqueue_indirect_dma source(%dma_start3A_150 : memref<512x128xf32, #tpu.memory_space<vmem_shared>>) target(%arg7 : memref<128x128xf32, #tpu.memory_space<vmem>>) offsets(%dma_start3A_147 : memref<128xi32, #tpu.memory_space<vmem>>) semaphore(%arg11 : memref<!tpu.dma_semaphore, #tpu.memory_space<semaphore_mem>>)
    %dma_wait3A_151 = arith.constant 5 : i32
    %dma_wait3A_152 = arith.constant 0 : i32
    %dma_wait3A_153 = tpu.memref_slice %arg6[%dma_wait3A_151, %dma_wait3A_152] : memref<16x128xi32, #tpu.memory_space<vmem>> -> memref<1x128xi32, #tpu.memory_space<vmem>>
    %dma_wait3A_154 = tpu.memref_squeeze %dma_wait3A_153 : memref<1x128xi32, #tpu.memory_space<vmem>> -> memref<128xi32, #tpu.memory_space<vmem>>
    %dma_wait3A_155 = arith.constant 0 : i32
    %dma_wait3A_156 = arith.constant 0 : i32
    %dma_wait3A_157 = tpu.memref_slice %arg5[%dma_wait3A_155, %dma_wait3A_156] : memref<512x128xf32, #tpu.memory_space<vmem_shared>> -> memref<512x128xf32, #tpu.memory_space<vmem_shared>>
    tpu.wait_indirect_dma semaphore(%arg12 : memref<!tpu.dma_semaphore, #tpu.memory_space<semaphore_mem>>) src(%dma_wait3A_157 : memref<512x128xf32, #tpu.memory_space<vmem_shared>>) dst(%arg8 : memref<128x128xf32, #tpu.memory_space<vmem>>)
    %add3A_158 = arith.constant 640 : i32
    %add3A_159 = arith.addi %mul3A_2, %add3A_158 : i32
    %dma_start3A_160 = arith.constant 0 : i32
    %dma_start3A_161 = tpu.memref_slice %arg4[%add3A_159, %dma_start3A_160] : memref<65536x128xf32, #tpu.memory_space<hbm>> -> memref<128x128xf32, #tpu.memory_space<hbm>>
    %dma_start3A_162 = arith.constant 0 : i32
    %dma_start3A_163 = tpu.memref_slice %arg4[%add3A_159, %dma_start3A_162] : memref<65536x128xf32, #tpu.memory_space<hbm>> -> memref<128x128xf32, #tpu.memory_space<hbm>>
    tpu.enqueue_dma source(%arg8 : memref<128x128xf32, #tpu.memory_space<vmem>>) target(%dma_start3A_163 : memref<128x128xf32, #tpu.memory_space<hbm>>) target_semaphore(%arg16 : memref<!tpu.dma_semaphore, #tpu.memory_space<semaphore_mem>>)
    %dma_wait3A_164 = arith.constant 0 : i32
    %dma_wait3A_165 = tpu.memref_slice %arg4[%add3A_159, %dma_wait3A_164] : memref<65536x128xf32, #tpu.memory_space<hbm>> -> memref<128x128xf32, #tpu.memory_space<hbm>>
    %dma_wait3A_166 = arith.constant 0 : i32
    %dma_wait3A_167 = tpu.memref_slice %arg4[%add3A_159, %dma_wait3A_166] : memref<65536x128xf32, #tpu.memory_space<hbm>> -> memref<128x128xf32, #tpu.memory_space<hbm>>
    tpu.wait_dma2 semaphore(%arg16 : memref<!tpu.dma_semaphore, #tpu.memory_space<semaphore_mem>>) src(%arg8 : memref<128x128xf32, #tpu.memory_space<vmem>>) dst(%dma_wait3A_167 : memref<128x128xf32, #tpu.memory_space<hbm>>)
    %dma_start3A_168 = arith.constant 9 : i32
    %dma_start3A_169 = arith.constant 0 : i32
    %dma_start3A_170 = tpu.memref_slice %arg6[%dma_start3A_168, %dma_start3A_169] : memref<16x128xi32, #tpu.memory_space<vmem>> -> memref<1x128xi32, #tpu.memory_space<vmem>>
    %dma_start3A_171 = tpu.memref_squeeze %dma_start3A_170 : memref<1x128xi32, #tpu.memory_space<vmem>> -> memref<128xi32, #tpu.memory_space<vmem>>
    %dma_start3A_172 = arith.constant 0 : i32
    %dma_start3A_173 = arith.constant 0 : i32
    %dma_start3A_174 = tpu.memref_slice %arg5[%dma_start3A_172, %dma_start3A_173] : memref<512x128xf32, #tpu.memory_space<vmem_shared>> -> memref<512x128xf32, #tpu.memory_space<vmem_shared>>
    tpu.enqueue_indirect_dma source(%dma_start3A_174 : memref<512x128xf32, #tpu.memory_space<vmem_shared>>) target(%arg8 : memref<128x128xf32, #tpu.memory_space<vmem>>) offsets(%dma_start3A_171 : memref<128xi32, #tpu.memory_space<vmem>>) semaphore(%arg12 : memref<!tpu.dma_semaphore, #tpu.memory_space<semaphore_mem>>)
    %dma_wait3A_175 = arith.constant 6 : i32
    %dma_wait3A_176 = arith.constant 0 : i32
    %dma_wait3A_177 = tpu.memref_slice %arg6[%dma_wait3A_175, %dma_wait3A_176] : memref<16x128xi32, #tpu.memory_space<vmem>> -> memref<1x128xi32, #tpu.memory_space<vmem>>
    %dma_wait3A_178 = tpu.memref_squeeze %dma_wait3A_177 : memref<1x128xi32, #tpu.memory_space<vmem>> -> memref<128xi32, #tpu.memory_space<vmem>>
    %dma_wait3A_179 = arith.constant 0 : i32
    %dma_wait3A_180 = arith.constant 0 : i32
    %dma_wait3A_181 = tpu.memref_slice %arg5[%dma_wait3A_179, %dma_wait3A_180] : memref<512x128xf32, #tpu.memory_space<vmem_shared>> -> memref<512x128xf32, #tpu.memory_space<vmem_shared>>
    tpu.wait_indirect_dma semaphore(%arg13 : memref<!tpu.dma_semaphore, #tpu.memory_space<semaphore_mem>>) src(%dma_wait3A_181 : memref<512x128xf32, #tpu.memory_space<vmem_shared>>) dst(%arg9 : memref<128x128xf32, #tpu.memory_space<vmem>>)
    %add3A_182 = arith.constant 768 : i32
    %add3A_183 = arith.addi %mul3A_2, %add3A_182 : i32
    %dma_start3A_184 = arith.constant 0 : i32
    %dma_start3A_185 = tpu.memref_slice %arg4[%add3A_183, %dma_start3A_184] : memref<65536x128xf32, #tpu.memory_space<hbm>> -> memref<128x128xf32, #tpu.memory_space<hbm>>
    %dma_start3A_186 = arith.constant 0 : i32
    %dma_start3A_187 = tpu.memref_slice %arg4[%add3A_183, %dma_start3A_186] : memref<65536x128xf32, #tpu.memory_space<hbm>> -> memref<128x128xf32, #tpu.memory_space<hbm>>
    tpu.enqueue_dma source(%arg9 : memref<128x128xf32, #tpu.memory_space<vmem>>) target(%dma_start3A_187 : memref<128x128xf32, #tpu.memory_space<hbm>>) target_semaphore(%arg17 : memref<!tpu.dma_semaphore, #tpu.memory_space<semaphore_mem>>)
    %dma_wait3A_188 = arith.constant 0 : i32
    %dma_wait3A_189 = tpu.memref_slice %arg4[%add3A_183, %dma_wait3A_188] : memref<65536x128xf32, #tpu.memory_space<hbm>> -> memref<128x128xf32, #tpu.memory_space<hbm>>
    %dma_wait3A_190 = arith.constant 0 : i32
    %dma_wait3A_191 = tpu.memref_slice %arg4[%add3A_183, %dma_wait3A_190] : memref<65536x128xf32, #tpu.memory_space<hbm>> -> memref<128x128xf32, #tpu.memory_space<hbm>>
    tpu.wait_dma2 semaphore(%arg17 : memref<!tpu.dma_semaphore, #tpu.memory_space<semaphore_mem>>) src(%arg9 : memref<128x128xf32, #tpu.memory_space<vmem>>) dst(%dma_wait3A_191 : memref<128x128xf32, #tpu.memory_space<hbm>>)
    %dma_start3A_192 = arith.constant 10 : i32
    %dma_start3A_193 = arith.constant 0 : i32
    %dma_start3A_194 = tpu.memref_slice %arg6[%dma_start3A_192, %dma_start3A_193] : memref<16x128xi32, #tpu.memory_space<vmem>> -> memref<1x128xi32, #tpu.memory_space<vmem>>
    %dma_start3A_195 = tpu.memref_squeeze %dma_start3A_194 : memref<1x128xi32, #tpu.memory_space<vmem>> -> memref<128xi32, #tpu.memory_space<vmem>>
    %dma_start3A_196 = arith.constant 0 : i32
    %dma_start3A_197 = arith.constant 0 : i32
    %dma_start3A_198 = tpu.memref_slice %arg5[%dma_start3A_196, %dma_start3A_197] : memref<512x128xf32, #tpu.memory_space<vmem_shared>> -> memref<512x128xf32, #tpu.memory_space<vmem_shared>>
    tpu.enqueue_indirect_dma source(%dma_start3A_198 : memref<512x128xf32, #tpu.memory_space<vmem_shared>>) target(%arg9 : memref<128x128xf32, #tpu.memory_space<vmem>>) offsets(%dma_start3A_195 : memref<128xi32, #tpu.memory_space<vmem>>) semaphore(%arg13 : memref<!tpu.dma_semaphore, #tpu.memory_space<semaphore_mem>>)
    %dma_wait3A_199 = arith.constant 7 : i32
    %dma_wait3A_200 = arith.constant 0 : i32
    %dma_wait3A_201 = tpu.memref_slice %arg6[%dma_wait3A_199, %dma_wait3A_200] : memref<16x128xi32, #tpu.memory_space<vmem>> -> memref<1x128xi32, #tpu.memory_space<vmem>>
    %dma_wait3A_202 = tpu.memref_squeeze %dma_wait3A_201 : memref<1x128xi32, #tpu.memory_space<vmem>> -> memref<128xi32, #tpu.memory_space<vmem>>
    %dma_wait3A_203 = arith.constant 0 : i32
    %dma_wait3A_204 = arith.constant 0 : i32
    %dma_wait3A_205 = tpu.memref_slice %arg5[%dma_wait3A_203, %dma_wait3A_204] : memref<512x128xf32, #tpu.memory_space<vmem_shared>> -> memref<512x128xf32, #tpu.memory_space<vmem_shared>>
    tpu.wait_indirect_dma semaphore(%arg14 : memref<!tpu.dma_semaphore, #tpu.memory_space<semaphore_mem>>) src(%dma_wait3A_205 : memref<512x128xf32, #tpu.memory_space<vmem_shared>>) dst(%arg10 : memref<128x128xf32, #tpu.memory_space<vmem>>)
    %add3A_206 = arith.constant 896 : i32
    %add3A_207 = arith.addi %mul3A_2, %add3A_206 : i32
    %dma_start3A_208 = arith.constant 0 : i32
    %dma_start3A_209 = tpu.memref_slice %arg4[%add3A_207, %dma_start3A_208] : memref<65536x128xf32, #tpu.memory_space<hbm>> -> memref<128x128xf32, #tpu.memory_space<hbm>>
    %dma_start3A_210 = arith.constant 0 : i32
    %dma_start3A_211 = tpu.memref_slice %arg4[%add3A_207, %dma_start3A_210] : memref<65536x128xf32, #tpu.memory_space<hbm>> -> memref<128x128xf32, #tpu.memory_space<hbm>>
    tpu.enqueue_dma source(%arg10 : memref<128x128xf32, #tpu.memory_space<vmem>>) target(%dma_start3A_211 : memref<128x128xf32, #tpu.memory_space<hbm>>) target_semaphore(%arg18 : memref<!tpu.dma_semaphore, #tpu.memory_space<semaphore_mem>>)
    %dma_wait3A_212 = arith.constant 0 : i32
    %dma_wait3A_213 = tpu.memref_slice %arg4[%add3A_207, %dma_wait3A_212] : memref<65536x128xf32, #tpu.memory_space<hbm>> -> memref<128x128xf32, #tpu.memory_space<hbm>>
    %dma_wait3A_214 = arith.constant 0 : i32
    %dma_wait3A_215 = tpu.memref_slice %arg4[%add3A_207, %dma_wait3A_214] : memref<65536x128xf32, #tpu.memory_space<hbm>> -> memref<128x128xf32, #tpu.memory_space<hbm>>
    tpu.wait_dma2 semaphore(%arg18 : memref<!tpu.dma_semaphore, #tpu.memory_space<semaphore_mem>>) src(%arg10 : memref<128x128xf32, #tpu.memory_space<vmem>>) dst(%dma_wait3A_215 : memref<128x128xf32, #tpu.memory_space<hbm>>)
    %dma_start3A_216 = arith.constant 11 : i32
    %dma_start3A_217 = arith.constant 0 : i32
    %dma_start3A_218 = tpu.memref_slice %arg6[%dma_start3A_216, %dma_start3A_217] : memref<16x128xi32, #tpu.memory_space<vmem>> -> memref<1x128xi32, #tpu.memory_space<vmem>>
    %dma_start3A_219 = tpu.memref_squeeze %dma_start3A_218 : memref<1x128xi32, #tpu.memory_space<vmem>> -> memref<128xi32, #tpu.memory_space<vmem>>
    %dma_start3A_220 = arith.constant 0 : i32
    %dma_start3A_221 = arith.constant 0 : i32
    %dma_start3A_222 = tpu.memref_slice %arg5[%dma_start3A_220, %dma_start3A_221] : memref<512x128xf32, #tpu.memory_space<vmem_shared>> -> memref<512x128xf32, #tpu.memory_space<vmem_shared>>
    tpu.enqueue_indirect_dma source(%dma_start3A_222 : memref<512x128xf32, #tpu.memory_space<vmem_shared>>) target(%arg10 : memref<128x128xf32, #tpu.memory_space<vmem>>) offsets(%dma_start3A_219 : memref<128xi32, #tpu.memory_space<vmem>>) semaphore(%arg14 : memref<!tpu.dma_semaphore, #tpu.memory_space<semaphore_mem>>)
    %dma_wait3A_223 = arith.constant 8 : i32
    %dma_wait3A_224 = arith.constant 0 : i32
    %dma_wait3A_225 = tpu.memref_slice %arg6[%dma_wait3A_223, %dma_wait3A_224] : memref<16x128xi32, #tpu.memory_space<vmem>> -> memref<1x128xi32, #tpu.memory_space<vmem>>
    %dma_wait3A_226 = tpu.memref_squeeze %dma_wait3A_225 : memref<1x128xi32, #tpu.memory_space<vmem>> -> memref<128xi32, #tpu.memory_space<vmem>>
    %dma_wait3A_227 = arith.constant 0 : i32
    %dma_wait3A_228 = arith.constant 0 : i32
    %dma_wait3A_229 = tpu.memref_slice %arg5[%dma_wait3A_227, %dma_wait3A_228] : memref<512x128xf32, #tpu.memory_space<vmem_shared>> -> memref<512x128xf32, #tpu.memory_space<vmem_shared>>
    tpu.wait_indirect_dma semaphore(%arg11 : memref<!tpu.dma_semaphore, #tpu.memory_space<semaphore_mem>>) src(%dma_wait3A_229 : memref<512x128xf32, #tpu.memory_space<vmem_shared>>) dst(%arg7 : memref<128x128xf32, #tpu.memory_space<vmem>>)
    %add3A_230 = arith.constant 1024 : i32
    %add3A_231 = arith.addi %mul3A_2, %add3A_230 : i32
    %dma_start3A_232 = arith.constant 0 : i32
    %dma_start3A_233 = tpu.memref_slice %arg4[%add3A_231, %dma_start3A_232] : memref<65536x128xf32, #tpu.memory_space<hbm>> -> memref<128x128xf32, #tpu.memory_space<hbm>>
    %dma_start3A_234 = arith.constant 0 : i32
    %dma_start3A_235 = tpu.memref_slice %arg4[%add3A_231, %dma_start3A_234] : memref<65536x128xf32, #tpu.memory_space<hbm>> -> memref<128x128xf32, #tpu.memory_space<hbm>>
    tpu.enqueue_dma source(%arg7 : memref<128x128xf32, #tpu.memory_space<vmem>>) target(%dma_start3A_235 : memref<128x128xf32, #tpu.memory_space<hbm>>) target_semaphore(%arg15 : memref<!tpu.dma_semaphore, #tpu.memory_space<semaphore_mem>>)
    %dma_wait3A_236 = arith.constant 0 : i32
    %dma_wait3A_237 = tpu.memref_slice %arg4[%add3A_231, %dma_wait3A_236] : memref<65536x128xf32, #tpu.memory_space<hbm>> -> memref<128x128xf32, #tpu.memory_space<hbm>>
    %dma_wait3A_238 = arith.constant 0 : i32
    %dma_wait3A_239 = tpu.memref_slice %arg4[%add3A_231, %dma_wait3A_238] : memref<65536x128xf32, #tpu.memory_space<hbm>> -> memref<128x128xf32, #tpu.memory_space<hbm>>
    tpu.wait_dma2 semaphore(%arg15 : memref<!tpu.dma_semaphore, #tpu.memory_space<semaphore_mem>>) src(%arg7 : memref<128x128xf32, #tpu.memory_space<vmem>>) dst(%dma_wait3A_239 : memref<128x128xf32, #tpu.memory_space<hbm>>)
    %dma_start3A_240 = arith.constant 12 : i32
    %dma_start3A_241 = arith.constant 0 : i32
    %dma_start3A_242 = tpu.memref_slice %arg6[%dma_start3A_240, %dma_start3A_241] : memref<16x128xi32, #tpu.memory_space<vmem>> -> memref<1x128xi32, #tpu.memory_space<vmem>>
    %dma_start3A_243 = tpu.memref_squeeze %dma_start3A_242 : memref<1x128xi32, #tpu.memory_space<vmem>> -> memref<128xi32, #tpu.memory_space<vmem>>
    %dma_start3A_244 = arith.constant 0 : i32
    %dma_start3A_245 = arith.constant 0 : i32
    %dma_start3A_246 = tpu.memref_slice %arg5[%dma_start3A_244, %dma_start3A_245] : memref<512x128xf32, #tpu.memory_space<vmem_shared>> -> memref<512x128xf32, #tpu.memory_space<vmem_shared>>
    tpu.enqueue_indirect_dma source(%dma_start3A_246 : memref<512x128xf32, #tpu.memory_space<vmem_shared>>) target(%arg7 : memref<128x128xf32, #tpu.memory_space<vmem>>) offsets(%dma_start3A_243 : memref<128xi32, #tpu.memory_space<vmem>>) semaphore(%arg11 : memref<!tpu.dma_semaphore, #tpu.memory_space<semaphore_mem>>)
    %dma_wait3A_247 = arith.constant 9 : i32
    %dma_wait3A_248 = arith.constant 0 : i32
    %dma_wait3A_249 = tpu.memref_slice %arg6[%dma_wait3A_247, %dma_wait3A_248] : memref<16x128xi32, #tpu.memory_space<vmem>> -> memref<1x128xi32, #tpu.memory_space<vmem>>
    %dma_wait3A_250 = tpu.memref_squeeze %dma_wait3A_249 : memref<1x128xi32, #tpu.memory_space<vmem>> -> memref<128xi32, #tpu.memory_space<vmem>>
    %dma_wait3A_251 = arith.constant 0 : i32
    %dma_wait3A_252 = arith.constant 0 : i32
    %dma_wait3A_253 = tpu.memref_slice %arg5[%dma_wait3A_251, %dma_wait3A_252] : memref<512x128xf32, #tpu.memory_space<vmem_shared>> -> memref<512x128xf32, #tpu.memory_space<vmem_shared>>
    tpu.wait_indirect_dma semaphore(%arg12 : memref<!tpu.dma_semaphore, #tpu.memory_space<semaphore_mem>>) src(%dma_wait3A_253 : memref<512x128xf32, #tpu.memory_space<vmem_shared>>) dst(%arg8 : memref<128x128xf32, #tpu.memory_space<vmem>>)
    %add3A_254 = arith.constant 1152 : i32
    %add3A_255 = arith.addi %mul3A_2, %add3A_254 : i32
    %dma_start3A_256 = arith.constant 0 : i32
    %dma_start3A_257 = tpu.memref_slice %arg4[%add3A_255, %dma_start3A_256] : memref<65536x128xf32, #tpu.memory_space<hbm>> -> memref<128x128xf32, #tpu.memory_space<hbm>>
    %dma_start3A_258 = arith.constant 0 : i32
    %dma_start3A_259 = tpu.memref_slice %arg4[%add3A_255, %dma_start3A_258] : memref<65536x128xf32, #tpu.memory_space<hbm>> -> memref<128x128xf32, #tpu.memory_space<hbm>>
    tpu.enqueue_dma source(%arg8 : memref<128x128xf32, #tpu.memory_space<vmem>>) target(%dma_start3A_259 : memref<128x128xf32, #tpu.memory_space<hbm>>) target_semaphore(%arg16 : memref<!tpu.dma_semaphore, #tpu.memory_space<semaphore_mem>>)
    %dma_wait3A_260 = arith.constant 0 : i32
    %dma_wait3A_261 = tpu.memref_slice %arg4[%add3A_255, %dma_wait3A_260] : memref<65536x128xf32, #tpu.memory_space<hbm>> -> memref<128x128xf32, #tpu.memory_space<hbm>>
    %dma_wait3A_262 = arith.constant 0 : i32
    %dma_wait3A_263 = tpu.memref_slice %arg4[%add3A_255, %dma_wait3A_262] : memref<65536x128xf32, #tpu.memory_space<hbm>> -> memref<128x128xf32, #tpu.memory_space<hbm>>
    tpu.wait_dma2 semaphore(%arg16 : memref<!tpu.dma_semaphore, #tpu.memory_space<semaphore_mem>>) src(%arg8 : memref<128x128xf32, #tpu.memory_space<vmem>>) dst(%dma_wait3A_263 : memref<128x128xf32, #tpu.memory_space<hbm>>)
    %dma_start3A_264 = arith.constant 13 : i32
    %dma_start3A_265 = arith.constant 0 : i32
    %dma_start3A_266 = tpu.memref_slice %arg6[%dma_start3A_264, %dma_start3A_265] : memref<16x128xi32, #tpu.memory_space<vmem>> -> memref<1x128xi32, #tpu.memory_space<vmem>>
    %dma_start3A_267 = tpu.memref_squeeze %dma_start3A_266 : memref<1x128xi32, #tpu.memory_space<vmem>> -> memref<128xi32, #tpu.memory_space<vmem>>
    %dma_start3A_268 = arith.constant 0 : i32
    %dma_start3A_269 = arith.constant 0 : i32
    %dma_start3A_270 = tpu.memref_slice %arg5[%dma_start3A_268, %dma_start3A_269] : memref<512x128xf32, #tpu.memory_space<vmem_shared>> -> memref<512x128xf32, #tpu.memory_space<vmem_shared>>
    tpu.enqueue_indirect_dma source(%dma_start3A_270 : memref<512x128xf32, #tpu.memory_space<vmem_shared>>) target(%arg8 : memref<128x128xf32, #tpu.memory_space<vmem>>) offsets(%dma_start3A_267 : memref<128xi32, #tpu.memory_space<vmem>>) semaphore(%arg12 : memref<!tpu.dma_semaphore, #tpu.memory_space<semaphore_mem>>)
    %dma_wait3A_271 = arith.constant 10 : i32
    %dma_wait3A_272 = arith.constant 0 : i32
    %dma_wait3A_273 = tpu.memref_slice %arg6[%dma_wait3A_271, %dma_wait3A_272] : memref<16x128xi32, #tpu.memory_space<vmem>> -> memref<1x128xi32, #tpu.memory_space<vmem>>
    %dma_wait3A_274 = tpu.memref_squeeze %dma_wait3A_273 : memref<1x128xi32, #tpu.memory_space<vmem>> -> memref<128xi32, #tpu.memory_space<vmem>>
    %dma_wait3A_275 = arith.constant 0 : i32
    %dma_wait3A_276 = arith.constant 0 : i32
    %dma_wait3A_277 = tpu.memref_slice %arg5[%dma_wait3A_275, %dma_wait3A_276] : memref<512x128xf32, #tpu.memory_space<vmem_shared>> -> memref<512x128xf32, #tpu.memory_space<vmem_shared>>
    tpu.wait_indirect_dma semaphore(%arg13 : memref<!tpu.dma_semaphore, #tpu.memory_space<semaphore_mem>>) src(%dma_wait3A_277 : memref<512x128xf32, #tpu.memory_space<vmem_shared>>) dst(%arg9 : memref<128x128xf32, #tpu.memory_space<vmem>>)
    %add3A_278 = arith.constant 1280 : i32
    %add3A_279 = arith.addi %mul3A_2, %add3A_278 : i32
    %dma_start3A_280 = arith.constant 0 : i32
    %dma_start3A_281 = tpu.memref_slice %arg4[%add3A_279, %dma_start3A_280] : memref<65536x128xf32, #tpu.memory_space<hbm>> -> memref<128x128xf32, #tpu.memory_space<hbm>>
    %dma_start3A_282 = arith.constant 0 : i32
    %dma_start3A_283 = tpu.memref_slice %arg4[%add3A_279, %dma_start3A_282] : memref<65536x128xf32, #tpu.memory_space<hbm>> -> memref<128x128xf32, #tpu.memory_space<hbm>>
    tpu.enqueue_dma source(%arg9 : memref<128x128xf32, #tpu.memory_space<vmem>>) target(%dma_start3A_283 : memref<128x128xf32, #tpu.memory_space<hbm>>) target_semaphore(%arg17 : memref<!tpu.dma_semaphore, #tpu.memory_space<semaphore_mem>>)
    %dma_wait3A_284 = arith.constant 0 : i32
    %dma_wait3A_285 = tpu.memref_slice %arg4[%add3A_279, %dma_wait3A_284] : memref<65536x128xf32, #tpu.memory_space<hbm>> -> memref<128x128xf32, #tpu.memory_space<hbm>>
    %dma_wait3A_286 = arith.constant 0 : i32
    %dma_wait3A_287 = tpu.memref_slice %arg4[%add3A_279, %dma_wait3A_286] : memref<65536x128xf32, #tpu.memory_space<hbm>> -> memref<128x128xf32, #tpu.memory_space<hbm>>
    tpu.wait_dma2 semaphore(%arg17 : memref<!tpu.dma_semaphore, #tpu.memory_space<semaphore_mem>>) src(%arg9 : memref<128x128xf32, #tpu.memory_space<vmem>>) dst(%dma_wait3A_287 : memref<128x128xf32, #tpu.memory_space<hbm>>)
    %dma_start3A_288 = arith.constant 14 : i32
    %dma_start3A_289 = arith.constant 0 : i32
    %dma_start3A_290 = tpu.memref_slice %arg6[%dma_start3A_288, %dma_start3A_289] : memref<16x128xi32, #tpu.memory_space<vmem>> -> memref<1x128xi32, #tpu.memory_space<vmem>>
    %dma_start3A_291 = tpu.memref_squeeze %dma_start3A_290 : memref<1x128xi32, #tpu.memory_space<vmem>> -> memref<128xi32, #tpu.memory_space<vmem>>
    %dma_start3A_292 = arith.constant 0 : i32
    %dma_start3A_293 = arith.constant 0 : i32
    %dma_start3A_294 = tpu.memref_slice %arg5[%dma_start3A_292, %dma_start3A_293] : memref<512x128xf32, #tpu.memory_space<vmem_shared>> -> memref<512x128xf32, #tpu.memory_space<vmem_shared>>
    tpu.enqueue_indirect_dma source(%dma_start3A_294 : memref<512x128xf32, #tpu.memory_space<vmem_shared>>) target(%arg9 : memref<128x128xf32, #tpu.memory_space<vmem>>) offsets(%dma_start3A_291 : memref<128xi32, #tpu.memory_space<vmem>>) semaphore(%arg13 : memref<!tpu.dma_semaphore, #tpu.memory_space<semaphore_mem>>)
    %dma_wait3A_295 = arith.constant 11 : i32
    %dma_wait3A_296 = arith.constant 0 : i32
    %dma_wait3A_297 = tpu.memref_slice %arg6[%dma_wait3A_295, %dma_wait3A_296] : memref<16x128xi32, #tpu.memory_space<vmem>> -> memref<1x128xi32, #tpu.memory_space<vmem>>
    %dma_wait3A_298 = tpu.memref_squeeze %dma_wait3A_297 : memref<1x128xi32, #tpu.memory_space<vmem>> -> memref<128xi32, #tpu.memory_space<vmem>>
    %dma_wait3A_299 = arith.constant 0 : i32
    %dma_wait3A_300 = arith.constant 0 : i32
    %dma_wait3A_301 = tpu.memref_slice %arg5[%dma_wait3A_299, %dma_wait3A_300] : memref<512x128xf32, #tpu.memory_space<vmem_shared>> -> memref<512x128xf32, #tpu.memory_space<vmem_shared>>
    tpu.wait_indirect_dma semaphore(%arg14 : memref<!tpu.dma_semaphore, #tpu.memory_space<semaphore_mem>>) src(%dma_wait3A_301 : memref<512x128xf32, #tpu.memory_space<vmem_shared>>) dst(%arg10 : memref<128x128xf32, #tpu.memory_space<vmem>>)
    %add3A_302 = arith.constant 1408 : i32
    %add3A_303 = arith.addi %mul3A_2, %add3A_302 : i32
    %dma_start3A_304 = arith.constant 0 : i32
    %dma_start3A_305 = tpu.memref_slice %arg4[%add3A_303, %dma_start3A_304] : memref<65536x128xf32, #tpu.memory_space<hbm>> -> memref<128x128xf32, #tpu.memory_space<hbm>>
    %dma_start3A_306 = arith.constant 0 : i32
    %dma_start3A_307 = tpu.memref_slice %arg4[%add3A_303, %dma_start3A_306] : memref<65536x128xf32, #tpu.memory_space<hbm>> -> memref<128x128xf32, #tpu.memory_space<hbm>>
    tpu.enqueue_dma source(%arg10 : memref<128x128xf32, #tpu.memory_space<vmem>>) target(%dma_start3A_307 : memref<128x128xf32, #tpu.memory_space<hbm>>) target_semaphore(%arg18 : memref<!tpu.dma_semaphore, #tpu.memory_space<semaphore_mem>>)
    %dma_wait3A_308 = arith.constant 0 : i32
    %dma_wait3A_309 = tpu.memref_slice %arg4[%add3A_303, %dma_wait3A_308] : memref<65536x128xf32, #tpu.memory_space<hbm>> -> memref<128x128xf32, #tpu.memory_space<hbm>>
    %dma_wait3A_310 = arith.constant 0 : i32
    %dma_wait3A_311 = tpu.memref_slice %arg4[%add3A_303, %dma_wait3A_310] : memref<65536x128xf32, #tpu.memory_space<hbm>> -> memref<128x128xf32, #tpu.memory_space<hbm>>
    tpu.wait_dma2 semaphore(%arg18 : memref<!tpu.dma_semaphore, #tpu.memory_space<semaphore_mem>>) src(%arg10 : memref<128x128xf32, #tpu.memory_space<vmem>>) dst(%dma_wait3A_311 : memref<128x128xf32, #tpu.memory_space<hbm>>)
    %dma_start3A_312 = arith.constant 15 : i32
    %dma_start3A_313 = arith.constant 0 : i32
    %dma_start3A_314 = tpu.memref_slice %arg6[%dma_start3A_312, %dma_start3A_313] : memref<16x128xi32, #tpu.memory_space<vmem>> -> memref<1x128xi32, #tpu.memory_space<vmem>>
    %dma_start3A_315 = tpu.memref_squeeze %dma_start3A_314 : memref<1x128xi32, #tpu.memory_space<vmem>> -> memref<128xi32, #tpu.memory_space<vmem>>
    %dma_start3A_316 = arith.constant 0 : i32
    %dma_start3A_317 = arith.constant 0 : i32
    %dma_start3A_318 = tpu.memref_slice %arg5[%dma_start3A_316, %dma_start3A_317] : memref<512x128xf32, #tpu.memory_space<vmem_shared>> -> memref<512x128xf32, #tpu.memory_space<vmem_shared>>
    tpu.enqueue_indirect_dma source(%dma_start3A_318 : memref<512x128xf32, #tpu.memory_space<vmem_shared>>) target(%arg10 : memref<128x128xf32, #tpu.memory_space<vmem>>) offsets(%dma_start3A_315 : memref<128xi32, #tpu.memory_space<vmem>>) semaphore(%arg14 : memref<!tpu.dma_semaphore, #tpu.memory_space<semaphore_mem>>)
    %dma_wait3A_319 = arith.constant 12 : i32
    %dma_wait3A_320 = arith.constant 0 : i32
    %dma_wait3A_321 = tpu.memref_slice %arg6[%dma_wait3A_319, %dma_wait3A_320] : memref<16x128xi32, #tpu.memory_space<vmem>> -> memref<1x128xi32, #tpu.memory_space<vmem>>
    %dma_wait3A_322 = tpu.memref_squeeze %dma_wait3A_321 : memref<1x128xi32, #tpu.memory_space<vmem>> -> memref<128xi32, #tpu.memory_space<vmem>>
    %dma_wait3A_323 = arith.constant 0 : i32
    %dma_wait3A_324 = arith.constant 0 : i32
    %dma_wait3A_325 = tpu.memref_slice %arg5[%dma_wait3A_323, %dma_wait3A_324] : memref<512x128xf32, #tpu.memory_space<vmem_shared>> -> memref<512x128xf32, #tpu.memory_space<vmem_shared>>
    tpu.wait_indirect_dma semaphore(%arg11 : memref<!tpu.dma_semaphore, #tpu.memory_space<semaphore_mem>>) src(%dma_wait3A_325 : memref<512x128xf32, #tpu.memory_space<vmem_shared>>) dst(%arg7 : memref<128x128xf32, #tpu.memory_space<vmem>>)
    %add3A_326 = arith.constant 1536 : i32
    %add3A_327 = arith.addi %mul3A_2, %add3A_326 : i32
    %dma_start3A_328 = arith.constant 0 : i32
    %dma_start3A_329 = tpu.memref_slice %arg4[%add3A_327, %dma_start3A_328] : memref<65536x128xf32, #tpu.memory_space<hbm>> -> memref<128x128xf32, #tpu.memory_space<hbm>>
    %dma_start3A_330 = arith.constant 0 : i32
    %dma_start3A_331 = tpu.memref_slice %arg4[%add3A_327, %dma_start3A_330] : memref<65536x128xf32, #tpu.memory_space<hbm>> -> memref<128x128xf32, #tpu.memory_space<hbm>>
    tpu.enqueue_dma source(%arg7 : memref<128x128xf32, #tpu.memory_space<vmem>>) target(%dma_start3A_331 : memref<128x128xf32, #tpu.memory_space<hbm>>) target_semaphore(%arg15 : memref<!tpu.dma_semaphore, #tpu.memory_space<semaphore_mem>>)
    %dma_wait3A_332 = arith.constant 13 : i32
    %dma_wait3A_333 = arith.constant 0 : i32
    %dma_wait3A_334 = tpu.memref_slice %arg6[%dma_wait3A_332, %dma_wait3A_333] : memref<16x128xi32, #tpu.memory_space<vmem>> -> memref<1x128xi32, #tpu.memory_space<vmem>>
    %dma_wait3A_335 = tpu.memref_squeeze %dma_wait3A_334 : memref<1x128xi32, #tpu.memory_space<vmem>> -> memref<128xi32, #tpu.memory_space<vmem>>
    %dma_wait3A_336 = arith.constant 0 : i32
    %dma_wait3A_337 = arith.constant 0 : i32
    %dma_wait3A_338 = tpu.memref_slice %arg5[%dma_wait3A_336, %dma_wait3A_337] : memref<512x128xf32, #tpu.memory_space<vmem_shared>> -> memref<512x128xf32, #tpu.memory_space<vmem_shared>>
    tpu.wait_indirect_dma semaphore(%arg12 : memref<!tpu.dma_semaphore, #tpu.memory_space<semaphore_mem>>) src(%dma_wait3A_338 : memref<512x128xf32, #tpu.memory_space<vmem_shared>>) dst(%arg8 : memref<128x128xf32, #tpu.memory_space<vmem>>)
    %add3A_339 = arith.constant 1664 : i32
    %add3A_340 = arith.addi %mul3A_2, %add3A_339 : i32
    %dma_start3A_341 = arith.constant 0 : i32
    %dma_start3A_342 = tpu.memref_slice %arg4[%add3A_340, %dma_start3A_341] : memref<65536x128xf32, #tpu.memory_space<hbm>> -> memref<128x128xf32, #tpu.memory_space<hbm>>
    %dma_start3A_343 = arith.constant 0 : i32
    %dma_start3A_344 = tpu.memref_slice %arg4[%add3A_340, %dma_start3A_343] : memref<65536x128xf32, #tpu.memory_space<hbm>> -> memref<128x128xf32, #tpu.memory_space<hbm>>
    tpu.enqueue_dma source(%arg8 : memref<128x128xf32, #tpu.memory_space<vmem>>) target(%dma_start3A_344 : memref<128x128xf32, #tpu.memory_space<hbm>>) target_semaphore(%arg16 : memref<!tpu.dma_semaphore, #tpu.memory_space<semaphore_mem>>)
    %dma_wait3A_345 = arith.constant 14 : i32
    %dma_wait3A_346 = arith.constant 0 : i32
    %dma_wait3A_347 = tpu.memref_slice %arg6[%dma_wait3A_345, %dma_wait3A_346] : memref<16x128xi32, #tpu.memory_space<vmem>> -> memref<1x128xi32, #tpu.memory_space<vmem>>
    %dma_wait3A_348 = tpu.memref_squeeze %dma_wait3A_347 : memref<1x128xi32, #tpu.memory_space<vmem>> -> memref<128xi32, #tpu.memory_space<vmem>>
    %dma_wait3A_349 = arith.constant 0 : i32
    %dma_wait3A_350 = arith.constant 0 : i32
    %dma_wait3A_351 = tpu.memref_slice %arg5[%dma_wait3A_349, %dma_wait3A_350] : memref<512x128xf32, #tpu.memory_space<vmem_shared>> -> memref<512x128xf32, #tpu.memory_space<vmem_shared>>
    tpu.wait_indirect_dma semaphore(%arg13 : memref<!tpu.dma_semaphore, #tpu.memory_space<semaphore_mem>>) src(%dma_wait3A_351 : memref<512x128xf32, #tpu.memory_space<vmem_shared>>) dst(%arg9 : memref<128x128xf32, #tpu.memory_space<vmem>>)
    %add3A_352 = arith.constant 1792 : i32
    %add3A_353 = arith.addi %mul3A_2, %add3A_352 : i32
    %dma_start3A_354 = arith.constant 0 : i32
    %dma_start3A_355 = tpu.memref_slice %arg4[%add3A_353, %dma_start3A_354] : memref<65536x128xf32, #tpu.memory_space<hbm>> -> memref<128x128xf32, #tpu.memory_space<hbm>>
    %dma_start3A_356 = arith.constant 0 : i32
    %dma_start3A_357 = tpu.memref_slice %arg4[%add3A_353, %dma_start3A_356] : memref<65536x128xf32, #tpu.memory_space<hbm>> -> memref<128x128xf32, #tpu.memory_space<hbm>>
    tpu.enqueue_dma source(%arg9 : memref<128x128xf32, #tpu.memory_space<vmem>>) target(%dma_start3A_357 : memref<128x128xf32, #tpu.memory_space<hbm>>) target_semaphore(%arg17 : memref<!tpu.dma_semaphore, #tpu.memory_space<semaphore_mem>>)
    %dma_wait3A_358 = arith.constant 15 : i32
    %dma_wait3A_359 = arith.constant 0 : i32
    %dma_wait3A_360 = tpu.memref_slice %arg6[%dma_wait3A_358, %dma_wait3A_359] : memref<16x128xi32, #tpu.memory_space<vmem>> -> memref<1x128xi32, #tpu.memory_space<vmem>>
    %dma_wait3A_361 = tpu.memref_squeeze %dma_wait3A_360 : memref<1x128xi32, #tpu.memory_space<vmem>> -> memref<128xi32, #tpu.memory_space<vmem>>
    %dma_wait3A_362 = arith.constant 0 : i32
    %dma_wait3A_363 = arith.constant 0 : i32
    %dma_wait3A_364 = tpu.memref_slice %arg5[%dma_wait3A_362, %dma_wait3A_363] : memref<512x128xf32, #tpu.memory_space<vmem_shared>> -> memref<512x128xf32, #tpu.memory_space<vmem_shared>>
    tpu.wait_indirect_dma semaphore(%arg14 : memref<!tpu.dma_semaphore, #tpu.memory_space<semaphore_mem>>) src(%dma_wait3A_364 : memref<512x128xf32, #tpu.memory_space<vmem_shared>>) dst(%arg10 : memref<128x128xf32, #tpu.memory_space<vmem>>)
    %add3A_365 = arith.constant 1920 : i32
    %add3A_366 = arith.addi %mul3A_2, %add3A_365 : i32
    %dma_start3A_367 = arith.constant 0 : i32
    %dma_start3A_368 = tpu.memref_slice %arg4[%add3A_366, %dma_start3A_367] : memref<65536x128xf32, #tpu.memory_space<hbm>> -> memref<128x128xf32, #tpu.memory_space<hbm>>
    %dma_start3A_369 = arith.constant 0 : i32
    %dma_start3A_370 = tpu.memref_slice %arg4[%add3A_366, %dma_start3A_369] : memref<65536x128xf32, #tpu.memory_space<hbm>> -> memref<128x128xf32, #tpu.memory_space<hbm>>
    tpu.enqueue_dma source(%arg10 : memref<128x128xf32, #tpu.memory_space<vmem>>) target(%dma_start3A_370 : memref<128x128xf32, #tpu.memory_space<hbm>>) target_semaphore(%arg18 : memref<!tpu.dma_semaphore, #tpu.memory_space<semaphore_mem>>)
    %dma_wait3A_371 = arith.constant 0 : i32
    %dma_wait3A_372 = tpu.memref_slice %arg4[%add3A_327, %dma_wait3A_371] : memref<65536x128xf32, #tpu.memory_space<hbm>> -> memref<128x128xf32, #tpu.memory_space<hbm>>
    %dma_wait3A_373 = arith.constant 0 : i32
    %dma_wait3A_374 = tpu.memref_slice %arg4[%add3A_327, %dma_wait3A_373] : memref<65536x128xf32, #tpu.memory_space<hbm>> -> memref<128x128xf32, #tpu.memory_space<hbm>>
    tpu.wait_dma2 semaphore(%arg15 : memref<!tpu.dma_semaphore, #tpu.memory_space<semaphore_mem>>) src(%arg7 : memref<128x128xf32, #tpu.memory_space<vmem>>) dst(%dma_wait3A_374 : memref<128x128xf32, #tpu.memory_space<hbm>>)
    %dma_wait3A_375 = arith.constant 0 : i32
    %dma_wait3A_376 = tpu.memref_slice %arg4[%add3A_340, %dma_wait3A_375] : memref<65536x128xf32, #tpu.memory_space<hbm>> -> memref<128x128xf32, #tpu.memory_space<hbm>>
    %dma_wait3A_377 = arith.constant 0 : i32
    %dma_wait3A_378 = tpu.memref_slice %arg4[%add3A_340, %dma_wait3A_377] : memref<65536x128xf32, #tpu.memory_space<hbm>> -> memref<128x128xf32, #tpu.memory_space<hbm>>
    tpu.wait_dma2 semaphore(%arg16 : memref<!tpu.dma_semaphore, #tpu.memory_space<semaphore_mem>>) src(%arg8 : memref<128x128xf32, #tpu.memory_space<vmem>>) dst(%dma_wait3A_378 : memref<128x128xf32, #tpu.memory_space<hbm>>)
    %dma_wait3A_379 = arith.constant 0 : i32
    %dma_wait3A_380 = tpu.memref_slice %arg4[%add3A_353, %dma_wait3A_379] : memref<65536x128xf32, #tpu.memory_space<hbm>> -> memref<128x128xf32, #tpu.memory_space<hbm>>
    %dma_wait3A_381 = arith.constant 0 : i32
    %dma_wait3A_382 = tpu.memref_slice %arg4[%add3A_353, %dma_wait3A_381] : memref<65536x128xf32, #tpu.memory_space<hbm>> -> memref<128x128xf32, #tpu.memory_space<hbm>>
    tpu.wait_dma2 semaphore(%arg17 : memref<!tpu.dma_semaphore, #tpu.memory_space<semaphore_mem>>) src(%arg9 : memref<128x128xf32, #tpu.memory_space<vmem>>) dst(%dma_wait3A_382 : memref<128x128xf32, #tpu.memory_space<hbm>>)
    %dma_wait3A_383 = arith.constant 0 : i32
    %dma_wait3A_384 = tpu.memref_slice %arg4[%add3A_366, %dma_wait3A_383] : memref<65536x128xf32, #tpu.memory_space<hbm>> -> memref<128x128xf32, #tpu.memory_space<hbm>>
    %dma_wait3A_385 = arith.constant 0 : i32
    %dma_wait3A_386 = tpu.memref_slice %arg4[%add3A_366, %dma_wait3A_385] : memref<65536x128xf32, #tpu.memory_space<hbm>> -> memref<128x128xf32, #tpu.memory_space<hbm>>
    tpu.wait_dma2 semaphore(%arg18 : memref<!tpu.dma_semaphore, #tpu.memory_space<semaphore_mem>>) src(%arg10 : memref<128x128xf32, #tpu.memory_space<vmem>>) dst(%dma_wait3A_386 : memref<128x128xf32, #tpu.memory_space<hbm>>)
    return
  }
}

module attributes {stable_mosaic.version = 14 : i64} {
  func.func @vq_dist_argmin(%arg0: i32, %arg1: memref<256x512xf32, #tpu.memory_space<vmem>>, %arg2: memref<64x512xf32, #tpu.memory_space<vmem>>, %arg3: memref<2048xi32, #tpu.memory_space<vmem>>, %arg4: memref<1x1xf32, #tpu.memory_space<smem>>) attributes {dimension_semantics = [#tpu.dimension_semantics<arbitrary>], iteration_bounds = array<i64: 32>, scalar_prefetch = 0 : i64, scratch_operands = 0 : i64, tpu.core_type = #tpu.core_type<tc>, window_params = [{transform_indices = @transform_0, window_bounds = array<i64: 256, 512>}, {pipeline_mode = #tpu.pipeline_mode<synchronous>, transform_indices = @transform_1, window_bounds = array<i64: 64, 512>}, {transform_indices = @transform_2, window_bounds = array<i64: 2048>}, {transform_indices = @transform_3, window_bounds = array<i64: 1, 1>}]} {
    %get3A = arith.constant 0 : index
    %get3A_0 = arith.constant 0 : index
    %get3A_1 = vector.load %arg2[%get3A, %get3A_0] : memref<64x512xf32, #tpu.memory_space<vmem>>, vector<64x512xf32>
    %mul3A = arith.mulf %get3A_1, %get3A_1 : vector<64x512xf32>
    %reduce_sum3A = arith.constant dense<0.000000e+00> : vector<512xf32>
    %reduce_sum3A_2 = vector.multi_reduction <add>, %mul3A, %reduce_sum3A [0] : vector<64x512xf32> to vector<512xf32>
    %broadcast_in_dim3A = vector.shape_cast %reduce_sum3A_2 : vector<512xf32> to vector<1x512xf32>
    %iota3A = tpu.iota {dimensions = array<i32: 1>} : vector<1x512xi32>
    %convert_element_type3A = arith.sitofp %iota3A : vector<1x512xi32> to vector<1x512xf32>
    %get3A_3 = arith.constant 0 : index
    %get3A_4 = arith.constant 0 : index
    %get3A_5 = vector.load %arg1[%get3A_3, %get3A_4] : memref<256x512xf32, #tpu.memory_space<vmem>>, vector<64x512xf32>
    %dot_general3A = arith.constant dense<0.000000e+00> : vector<512x512xf32>
    %dot_general3A_6 = tpu.matmul %get3A_5, %get3A_1, %dot_general3A {dimension_numbers = #tpu.dot_dimension_numbers<[0], [0], [1], [1], [0, 1, 1, 1], [], []>, transpose_lhs_hint = false} : vector<64x512xf32>, vector<64x512xf32>, vector<512x512xf32> -> vector<512x512xf32>
    %mul3A_7 = arith.mulf %get3A_5, %get3A_5 : vector<64x512xf32>
    %reduce_sum3A_8 = arith.constant dense<0.000000e+00> : vector<512xf32>
    %reduce_sum3A_9 = vector.multi_reduction <add>, %mul3A_7, %reduce_sum3A_8 [0] : vector<64x512xf32> to vector<512xf32>
    %broadcast_in_dim3A_10 = vector.shape_cast %reduce_sum3A_9 : vector<512xf32> to vector<1x512xf32>
    %transpose3A = tpu.transpose %broadcast_in_dim3A_10, [1, 0] : vector<1x512xf32> -> vector<512x1xf32>
    %mul3A_11 = arith.constant 2.000000e+00 : f32
    %mul3A_12 = vector.broadcast %mul3A_11 : f32 to vector<512x512xf32>
    %mul3A_13 = arith.mulf %mul3A_12, %dot_general3A_6 : vector<512x512xf32>
    %sub3A = vector.broadcast %transpose3A : vector<512x1xf32> to vector<512x512xf32>
    %sub3A_14 = arith.subf %sub3A, %mul3A_13 : vector<512x512xf32>
    %add3A = vector.broadcast %broadcast_in_dim3A : vector<1x512xf32> to vector<512x512xf32>
    %add3A_15 = arith.addf %sub3A_14, %add3A : vector<512x512xf32>
    %reduce_min3A = arith.constant dense<0x7F800000> : vector<512xf32>
    %reduce_min3A_16 = vector.multi_reduction <minimumf>, %add3A_15, %reduce_min3A [1] : vector<512x512xf32> to vector<512xf32>
    %broadcast_in_dim3A_17 = vector.shape_cast %reduce_min3A_16 : vector<512xf32> to vector<512x1xf32>
    %eq3A = vector.broadcast %broadcast_in_dim3A_17 : vector<512x1xf32> to vector<512x512xf32>
    %eq3A_18 = arith.cmpf oeq, %add3A_15, %eq3A : vector<512x512xf32>
    %jit3A = arith.constant 5.120000e+02 : f32
    %broadcast_in_dim3A_19 = vector.shape_cast %convert_element_type3A : vector<1x512xf32> to vector<1x512xf32>
    %broadcast_in_dim3A_20 = vector.broadcast %broadcast_in_dim3A_19 : vector<1x512xf32> to vector<512x512xf32>
    %broadcast_in_dim3A_21 = vector.broadcast %jit3A : f32 to vector<512x512xf32>
    %select_n3A = arith.select %eq3A_18, %broadcast_in_dim3A_20, %broadcast_in_dim3A_21 : vector<512x512xi1>, vector<512x512xf32>
    %reduce_min3A_22 = arith.constant dense<0x7F800000> : vector<512xf32>
    %reduce_min3A_23 = vector.multi_reduction <minimumf>, %select_n3A, %reduce_min3A_22 [1] : vector<512x512xf32> to vector<512xf32>
    %convert_element_type3A_24 = arith.fptosi %reduce_min3A_23 : vector<512xf32> to vector<512xi32>
    %swap3A = arith.constant 0 : index
    %swap3A_25 = vector.load %arg3[%swap3A] : memref<2048xi32, #tpu.memory_space<vmem>>, vector<512xi32>
    tpu.vector_store %arg3[%swap3A], %convert_element_type3A_24 {strides = array<i32>} : memref<2048xi32, #tpu.memory_space<vmem>>, vector<512xi32>,
    %eq3A_26 = arith.constant 0 : i32
    %eq3A_27 = arith.cmpi eq, %arg0, %eq3A_26 : i32
    %and3A = arith.constant true
    %and3A_28 = arith.andi %eq3A_27, %and3A : i1
    %convert_element_type3A_29 = arith.extui %and3A_28 : i1 to i32
    %cond3A = arith.constant 0 : i32
    %cond3A_30 = arith.cmpi ne, %convert_element_type3A_29, %cond3A : i32
    scf.if %cond3A_30 {
      %swap3A_196 = arith.constant 0.000000e+00 : f32
      %swap3A_197 = arith.constant 0 : index
      %swap3A_198 = arith.constant 0 : index
      %swap3A_199 = memref.load %arg4[%swap3A_197, %swap3A_198] : memref<1x1xf32, #tpu.memory_space<smem>>
      memref.store %swap3A_196, %arg4[%swap3A_197, %swap3A_198] : memref<1x1xf32, #tpu.memory_space<smem>>
    } else {
    }
    %get3A_31 = arith.constant 0 : index
    %get3A_32 = arith.constant 0 : index
    %get3A_33 = memref.load %arg4[%get3A_31, %get3A_32] : memref<1x1xf32, #tpu.memory_space<smem>>
    %reduce_sum3A_34 = vector.shape_cast %broadcast_in_dim3A_17 : vector<512x1xf32> to vector<1x512x1xf32>
    %reduce_sum3A_35 = arith.constant dense<0.000000e+00> : vector<1xf32>
    %reduce_sum3A_36 = vector.multi_reduction <add>, %reduce_sum3A_34, %reduce_sum3A_35 [1, 2] : vector<1x512x1xf32> to vector<1xf32>
    %reduce_sum3A_37 = vector.shape_cast %reduce_sum3A_36 : vector<1xf32> to vector<1x1x1xf32>
    %reduce_sum3A_38 = vector.extract %reduce_sum3A_37[0, 0, 0] : f32 from vector<1x1x1xf32>
    %add3A_39 = arith.addf %get3A_33, %reduce_sum3A_38 : f32
    %swap3A_40 = arith.constant 0 : index
    %swap3A_41 = arith.constant 0 : index
    %swap3A_42 = memref.load %arg4[%swap3A_40, %swap3A_41] : memref<1x1xf32, #tpu.memory_space<smem>>
    memref.store %add3A_39, %arg4[%swap3A_40, %swap3A_41] : memref<1x1xf32, #tpu.memory_space<smem>>
    %get3A_43 = arith.constant 64 : index
    %get3A_44 = arith.constant 0 : index
    %get3A_45 = vector.load %arg1[%get3A_43, %get3A_44] : memref<256x512xf32, #tpu.memory_space<vmem>>, vector<64x512xf32>
    %dot_general3A_46 = arith.constant dense<0.000000e+00> : vector<512x512xf32>
    %dot_general3A_47 = tpu.matmul %get3A_45, %get3A_1, %dot_general3A_46 {dimension_numbers = #tpu.dot_dimension_numbers<[0], [0], [1], [1], [0, 1, 1, 1], [], []>, transpose_lhs_hint = false} : vector<64x512xf32>, vector<64x512xf32>, vector<512x512xf32> -> vector<512x512xf32>
    %mul3A_48 = arith.mulf %get3A_45, %get3A_45 : vector<64x512xf32>
    %reduce_sum3A_49 = arith.constant dense<0.000000e+00> : vector<512xf32>
    %reduce_sum3A_50 = vector.multi_reduction <add>, %mul3A_48, %reduce_sum3A_49 [0] : vector<64x512xf32> to vector<512xf32>
    %broadcast_in_dim3A_51 = vector.shape_cast %reduce_sum3A_50 : vector<512xf32> to vector<1x512xf32>
    %transpose3A_52 = tpu.transpose %broadcast_in_dim3A_51, [1, 0] : vector<1x512xf32> -> vector<512x1xf32>
    %mul3A_53 = arith.constant 2.000000e+00 : f32
    %mul3A_54 = vector.broadcast %mul3A_53 : f32 to vector<512x512xf32>
    %mul3A_55 = arith.mulf %mul3A_54, %dot_general3A_47 : vector<512x512xf32>
    %sub3A_56 = vector.broadcast %transpose3A_52 : vector<512x1xf32> to vector<512x512xf32>
    %sub3A_57 = arith.subf %sub3A_56, %mul3A_55 : vector<512x512xf32>
    %add3A_58 = vector.broadcast %broadcast_in_dim3A : vector<1x512xf32> to vector<512x512xf32>
    %add3A_59 = arith.addf %sub3A_57, %add3A_58 : vector<512x512xf32>
    %reduce_min3A_60 = arith.constant dense<0x7F800000> : vector<512xf32>
    %reduce_min3A_61 = vector.multi_reduction <minimumf>, %add3A_59, %reduce_min3A_60 [1] : vector<512x512xf32> to vector<512xf32>
    %broadcast_in_dim3A_62 = vector.shape_cast %reduce_min3A_61 : vector<512xf32> to vector<512x1xf32>
    %eq3A_63 = vector.broadcast %broadcast_in_dim3A_62 : vector<512x1xf32> to vector<512x512xf32>
    %eq3A_64 = arith.cmpf oeq, %add3A_59, %eq3A_63 : vector<512x512xf32>
    %jit3A_65 = arith.constant 5.120000e+02 : f32
    %broadcast_in_dim3A_66 = vector.shape_cast %convert_element_type3A : vector<1x512xf32> to vector<1x512xf32>
    %broadcast_in_dim3A_67 = vector.broadcast %broadcast_in_dim3A_66 : vector<1x512xf32> to vector<512x512xf32>
    %broadcast_in_dim3A_68 = vector.broadcast %jit3A_65 : f32 to vector<512x512xf32>
    %select_n3A_69 = arith.select %eq3A_64, %broadcast_in_dim3A_67, %broadcast_in_dim3A_68 : vector<512x512xi1>, vector<512x512xf32>
    %reduce_min3A_70 = arith.constant dense<0x7F800000> : vector<512xf32>
    %reduce_min3A_71 = vector.multi_reduction <minimumf>, %select_n3A_69, %reduce_min3A_70 [1] : vector<512x512xf32> to vector<512xf32>
    %convert_element_type3A_72 = arith.fptosi %reduce_min3A_71 : vector<512xf32> to vector<512xi32>
    %swap3A_73 = arith.constant 512 : index
    %swap3A_74 = vector.load %arg3[%swap3A_73] : memref<2048xi32, #tpu.memory_space<vmem>>, vector<512xi32>
    tpu.vector_store %arg3[%swap3A_73], %convert_element_type3A_72 {strides = array<i32>} : memref<2048xi32, #tpu.memory_space<vmem>>, vector<512xi32>,
    %eq3A_75 = arith.constant 0 : i32
    %eq3A_76 = arith.cmpi eq, %arg0, %eq3A_75 : i32
    %and3A_77 = arith.constant false
    %and3A_78 = arith.andi %eq3A_76, %and3A_77 : i1
    %convert_element_type3A_79 = arith.extui %and3A_78 : i1 to i32
    %cond3A_80 = arith.constant 0 : i32
    %cond3A_81 = arith.cmpi ne, %convert_element_type3A_79, %cond3A_80 : i32
    scf.if %cond3A_81 {
      %swap3A_196 = arith.constant 0.000000e+00 : f32
      %swap3A_197 = arith.constant 0 : index
      %swap3A_198 = arith.constant 0 : index
      %swap3A_199 = memref.load %arg4[%swap3A_197, %swap3A_198] : memref<1x1xf32, #tpu.memory_space<smem>>
      memref.store %swap3A_196, %arg4[%swap3A_197, %swap3A_198] : memref<1x1xf32, #tpu.memory_space<smem>>
    } else {
    }
    %get3A_82 = arith.constant 0 : index
    %get3A_83 = arith.constant 0 : index
    %get3A_84 = memref.load %arg4[%get3A_82, %get3A_83] : memref<1x1xf32, #tpu.memory_space<smem>>
    %reduce_sum3A_85 = vector.shape_cast %broadcast_in_dim3A_62 : vector<512x1xf32> to vector<1x512x1xf32>
    %reduce_sum3A_86 = arith.constant dense<0.000000e+00> : vector<1xf32>
    %reduce_sum3A_87 = vector.multi_reduction <add>, %reduce_sum3A_85, %reduce_sum3A_86 [1, 2] : vector<1x512x1xf32> to vector<1xf32>
    %reduce_sum3A_88 = vector.shape_cast %reduce_sum3A_87 : vector<1xf32> to vector<1x1x1xf32>
    %reduce_sum3A_89 = vector.extract %reduce_sum3A_88[0, 0, 0] : f32 from vector<1x1x1xf32>
    %add3A_90 = arith.addf %get3A_84, %reduce_sum3A_89 : f32
    %swap3A_91 = arith.constant 0 : index
    %swap3A_92 = arith.constant 0 : index
    %swap3A_93 = memref.load %arg4[%swap3A_91, %swap3A_92] : memref<1x1xf32, #tpu.memory_space<smem>>
    memref.store %add3A_90, %arg4[%swap3A_91, %swap3A_92] : memref<1x1xf32, #tpu.memory_space<smem>>
    %get3A_94 = arith.constant 128 : index
    %get3A_95 = arith.constant 0 : index
    %get3A_96 = vector.load %arg1[%get3A_94, %get3A_95] : memref<256x512xf32, #tpu.memory_space<vmem>>, vector<64x512xf32>
    %dot_general3A_97 = arith.constant dense<0.000000e+00> : vector<512x512xf32>
    %dot_general3A_98 = tpu.matmul %get3A_96, %get3A_1, %dot_general3A_97 {dimension_numbers = #tpu.dot_dimension_numbers<[0], [0], [1], [1], [0, 1, 1, 1], [], []>, transpose_lhs_hint = false} : vector<64x512xf32>, vector<64x512xf32>, vector<512x512xf32> -> vector<512x512xf32>
    %mul3A_99 = arith.mulf %get3A_96, %get3A_96 : vector<64x512xf32>
    %reduce_sum3A_100 = arith.constant dense<0.000000e+00> : vector<512xf32>
    %reduce_sum3A_101 = vector.multi_reduction <add>, %mul3A_99, %reduce_sum3A_100 [0] : vector<64x512xf32> to vector<512xf32>
    %broadcast_in_dim3A_102 = vector.shape_cast %reduce_sum3A_101 : vector<512xf32> to vector<1x512xf32>
    %transpose3A_103 = tpu.transpose %broadcast_in_dim3A_102, [1, 0] : vector<1x512xf32> -> vector<512x1xf32>
    %mul3A_104 = arith.constant 2.000000e+00 : f32
    %mul3A_105 = vector.broadcast %mul3A_104 : f32 to vector<512x512xf32>
    %mul3A_106 = arith.mulf %mul3A_105, %dot_general3A_98 : vector<512x512xf32>
    %sub3A_107 = vector.broadcast %transpose3A_103 : vector<512x1xf32> to vector<512x512xf32>
    %sub3A_108 = arith.subf %sub3A_107, %mul3A_106 : vector<512x512xf32>
    %add3A_109 = vector.broadcast %broadcast_in_dim3A : vector<1x512xf32> to vector<512x512xf32>
    %add3A_110 = arith.addf %sub3A_108, %add3A_109 : vector<512x512xf32>
    %reduce_min3A_111 = arith.constant dense<0x7F800000> : vector<512xf32>
    %reduce_min3A_112 = vector.multi_reduction <minimumf>, %add3A_110, %reduce_min3A_111 [1] : vector<512x512xf32> to vector<512xf32>
    %broadcast_in_dim3A_113 = vector.shape_cast %reduce_min3A_112 : vector<512xf32> to vector<512x1xf32>
    %eq3A_114 = vector.broadcast %broadcast_in_dim3A_113 : vector<512x1xf32> to vector<512x512xf32>
    %eq3A_115 = arith.cmpf oeq, %add3A_110, %eq3A_114 : vector<512x512xf32>
    %jit3A_116 = arith.constant 5.120000e+02 : f32
    %broadcast_in_dim3A_117 = vector.shape_cast %convert_element_type3A : vector<1x512xf32> to vector<1x512xf32>
    %broadcast_in_dim3A_118 = vector.broadcast %broadcast_in_dim3A_117 : vector<1x512xf32> to vector<512x512xf32>
    %broadcast_in_dim3A_119 = vector.broadcast %jit3A_116 : f32 to vector<512x512xf32>
    %select_n3A_120 = arith.select %eq3A_115, %broadcast_in_dim3A_118, %broadcast_in_dim3A_119 : vector<512x512xi1>, vector<512x512xf32>
    %reduce_min3A_121 = arith.constant dense<0x7F800000> : vector<512xf32>
    %reduce_min3A_122 = vector.multi_reduction <minimumf>, %select_n3A_120, %reduce_min3A_121 [1] : vector<512x512xf32> to vector<512xf32>
    %convert_element_type3A_123 = arith.fptosi %reduce_min3A_122 : vector<512xf32> to vector<512xi32>
    %swap3A_124 = arith.constant 1024 : index
    %swap3A_125 = vector.load %arg3[%swap3A_124] : memref<2048xi32, #tpu.memory_space<vmem>>, vector<512xi32>
    tpu.vector_store %arg3[%swap3A_124], %convert_element_type3A_123 {strides = array<i32>} : memref<2048xi32, #tpu.memory_space<vmem>>, vector<512xi32>,
    %eq3A_126 = arith.constant 0 : i32
    %eq3A_127 = arith.cmpi eq, %arg0, %eq3A_126 : i32
    %and3A_128 = arith.constant false
    %and3A_129 = arith.andi %eq3A_127, %and3A_128 : i1
    %convert_element_type3A_130 = arith.extui %and3A_129 : i1 to i32
    %cond3A_131 = arith.constant 0 : i32
    %cond3A_132 = arith.cmpi ne, %convert_element_type3A_130, %cond3A_131 : i32
    scf.if %cond3A_132 {
      %swap3A_196 = arith.constant 0.000000e+00 : f32
      %swap3A_197 = arith.constant 0 : index
      %swap3A_198 = arith.constant 0 : index
      %swap3A_199 = memref.load %arg4[%swap3A_197, %swap3A_198] : memref<1x1xf32, #tpu.memory_space<smem>>
      memref.store %swap3A_196, %arg4[%swap3A_197, %swap3A_198] : memref<1x1xf32, #tpu.memory_space<smem>>
    } else {
    }
    %get3A_133 = arith.constant 0 : index
    %get3A_134 = arith.constant 0 : index
    %get3A_135 = memref.load %arg4[%get3A_133, %get3A_134] : memref<1x1xf32, #tpu.memory_space<smem>>
    %reduce_sum3A_136 = vector.shape_cast %broadcast_in_dim3A_113 : vector<512x1xf32> to vector<1x512x1xf32>
    %reduce_sum3A_137 = arith.constant dense<0.000000e+00> : vector<1xf32>
    %reduce_sum3A_138 = vector.multi_reduction <add>, %reduce_sum3A_136, %reduce_sum3A_137 [1, 2] : vector<1x512x1xf32> to vector<1xf32>
    %reduce_sum3A_139 = vector.shape_cast %reduce_sum3A_138 : vector<1xf32> to vector<1x1x1xf32>
    %reduce_sum3A_140 = vector.extract %reduce_sum3A_139[0, 0, 0] : f32 from vector<1x1x1xf32>
    %add3A_141 = arith.addf %get3A_135, %reduce_sum3A_140 : f32
    %swap3A_142 = arith.constant 0 : index
    %swap3A_143 = arith.constant 0 : index
    %swap3A_144 = memref.load %arg4[%swap3A_142, %swap3A_143] : memref<1x1xf32, #tpu.memory_space<smem>>
    memref.store %add3A_141, %arg4[%swap3A_142, %swap3A_143] : memref<1x1xf32, #tpu.memory_space<smem>>
    %get3A_145 = arith.constant 192 : index
    %get3A_146 = arith.constant 0 : index
    %get3A_147 = vector.load %arg1[%get3A_145, %get3A_146] : memref<256x512xf32, #tpu.memory_space<vmem>>, vector<64x512xf32>
    %dot_general3A_148 = arith.constant dense<0.000000e+00> : vector<512x512xf32>
    %dot_general3A_149 = tpu.matmul %get3A_147, %get3A_1, %dot_general3A_148 {dimension_numbers = #tpu.dot_dimension_numbers<[0], [0], [1], [1], [0, 1, 1, 1], [], []>, transpose_lhs_hint = false} : vector<64x512xf32>, vector<64x512xf32>, vector<512x512xf32> -> vector<512x512xf32>
    %mul3A_150 = arith.mulf %get3A_147, %get3A_147 : vector<64x512xf32>
    %reduce_sum3A_151 = arith.constant dense<0.000000e+00> : vector<512xf32>
    %reduce_sum3A_152 = vector.multi_reduction <add>, %mul3A_150, %reduce_sum3A_151 [0] : vector<64x512xf32> to vector<512xf32>
    %broadcast_in_dim3A_153 = vector.shape_cast %reduce_sum3A_152 : vector<512xf32> to vector<1x512xf32>
    %transpose3A_154 = tpu.transpose %broadcast_in_dim3A_153, [1, 0] : vector<1x512xf32> -> vector<512x1xf32>
    %mul3A_155 = arith.constant 2.000000e+00 : f32
    %mul3A_156 = vector.broadcast %mul3A_155 : f32 to vector<512x512xf32>
    %mul3A_157 = arith.mulf %mul3A_156, %dot_general3A_149 : vector<512x512xf32>
    %sub3A_158 = vector.broadcast %transpose3A_154 : vector<512x1xf32> to vector<512x512xf32>
    %sub3A_159 = arith.subf %sub3A_158, %mul3A_157 : vector<512x512xf32>
    %add3A_160 = vector.broadcast %broadcast_in_dim3A : vector<1x512xf32> to vector<512x512xf32>
    %add3A_161 = arith.addf %sub3A_159, %add3A_160 : vector<512x512xf32>
    %reduce_min3A_162 = arith.constant dense<0x7F800000> : vector<512xf32>
    %reduce_min3A_163 = vector.multi_reduction <minimumf>, %add3A_161, %reduce_min3A_162 [1] : vector<512x512xf32> to vector<512xf32>
    %broadcast_in_dim3A_164 = vector.shape_cast %reduce_min3A_163 : vector<512xf32> to vector<512x1xf32>
    %eq3A_165 = vector.broadcast %broadcast_in_dim3A_164 : vector<512x1xf32> to vector<512x512xf32>
    %eq3A_166 = arith.cmpf oeq, %add3A_161, %eq3A_165 : vector<512x512xf32>
    %jit3A_167 = arith.constant 5.120000e+02 : f32
    %broadcast_in_dim3A_168 = vector.shape_cast %convert_element_type3A : vector<1x512xf32> to vector<1x512xf32>
    %broadcast_in_dim3A_169 = vector.broadcast %broadcast_in_dim3A_168 : vector<1x512xf32> to vector<512x512xf32>
    %broadcast_in_dim3A_170 = vector.broadcast %jit3A_167 : f32 to vector<512x512xf32>
    %select_n3A_171 = arith.select %eq3A_166, %broadcast_in_dim3A_169, %broadcast_in_dim3A_170 : vector<512x512xi1>, vector<512x512xf32>
    %reduce_min3A_172 = arith.constant dense<0x7F800000> : vector<512xf32>
    %reduce_min3A_173 = vector.multi_reduction <minimumf>, %select_n3A_171, %reduce_min3A_172 [1] : vector<512x512xf32> to vector<512xf32>
    %convert_element_type3A_174 = arith.fptosi %reduce_min3A_173 : vector<512xf32> to vector<512xi32>
    %swap3A_175 = arith.constant 1536 : index
    %swap3A_176 = vector.load %arg3[%swap3A_175] : memref<2048xi32, #tpu.memory_space<vmem>>, vector<512xi32>
    tpu.vector_store %arg3[%swap3A_175], %convert_element_type3A_174 {strides = array<i32>} : memref<2048xi32, #tpu.memory_space<vmem>>, vector<512xi32>,
    %eq3A_177 = arith.constant 0 : i32
    %eq3A_178 = arith.cmpi eq, %arg0, %eq3A_177 : i32
    %and3A_179 = arith.constant false
    %and3A_180 = arith.andi %eq3A_178, %and3A_179 : i1
    %convert_element_type3A_181 = arith.extui %and3A_180 : i1 to i32
    %cond3A_182 = arith.constant 0 : i32
    %cond3A_183 = arith.cmpi ne, %convert_element_type3A_181, %cond3A_182 : i32
    scf.if %cond3A_183 {
      %swap3A_196 = arith.constant 0.000000e+00 : f32
      %swap3A_197 = arith.constant 0 : index
      %swap3A_198 = arith.constant 0 : index
      %swap3A_199 = memref.load %arg4[%swap3A_197, %swap3A_198] : memref<1x1xf32, #tpu.memory_space<smem>>
      memref.store %swap3A_196, %arg4[%swap3A_197, %swap3A_198] : memref<1x1xf32, #tpu.memory_space<smem>>
    } else {
    }
    %get3A_184 = arith.constant 0 : index
    %get3A_185 = arith.constant 0 : index
    %get3A_186 = memref.load %arg4[%get3A_184, %get3A_185] : memref<1x1xf32, #tpu.memory_space<smem>>
    %reduce_sum3A_187 = vector.shape_cast %broadcast_in_dim3A_164 : vector<512x1xf32> to vector<1x512x1xf32>
    %reduce_sum3A_188 = arith.constant dense<0.000000e+00> : vector<1xf32>
    %reduce_sum3A_189 = vector.multi_reduction <add>, %reduce_sum3A_187, %reduce_sum3A_188 [1, 2] : vector<1x512x1xf32> to vector<1xf32>
    %reduce_sum3A_190 = vector.shape_cast %reduce_sum3A_189 : vector<1xf32> to vector<1x1x1xf32>
    %reduce_sum3A_191 = vector.extract %reduce_sum3A_190[0, 0, 0] : f32 from vector<1x1x1xf32>
    %add3A_192 = arith.addf %get3A_186, %reduce_sum3A_191 : f32
    %swap3A_193 = arith.constant 0 : index
    %swap3A_194 = arith.constant 0 : index
    %swap3A_195 = memref.load %arg4[%swap3A_193, %swap3A_194] : memref<1x1xf32, #tpu.memory_space<smem>>
    memref.store %add3A_192, %arg4[%swap3A_193, %swap3A_194] : memref<1x1xf32, #tpu.memory_space<smem>>
    return
  }
  func.func @transform_0(%arg0: i32) -> (i32, i32) {
    %c0_i32 = arith.constant 0 : i32
    %c0_i32_0 = arith.constant 0 : i32
    return %arg0, %c0_i32 : i32, i32
  }
  func.func @transform_1(%arg0: i32) -> (i32, i32) {
    %c0_i32 = arith.constant 0 : i32
    %c0_i32_0 = arith.constant 0 : i32
    %c0_i32_1 = arith.constant 0 : i32
    return %c0_i32, %c0_i32_0 : i32, i32
  }
  func.func @transform_2(%arg0: i32) -> i32 {
    %c0_i32 = arith.constant 0 : i32
    return %arg0 : i32
  }
  func.func @transform_3(%arg0: i32) -> (i32, i32) {
    %c0_i32 = arith.constant 0 : i32
    %c0_i32_0 = arith.constant 0 : i32
    %c0_i32_1 = arith.constant 0 : i32
    return %c0_i32, %c0_i32_0 : i32, i32
  }
}

</mosaic_0001>

<sc_bundles>
// kernel: kernel.3.cloned.1.call-start
scs
__scs_entry_jumppad:
0x0: {  	(pc) =	sbr.rel $0x88, $3  }
0x1: {  	(tag) =	ssettag $0x0;
	lr =	simm.s32 $0x1  }
0x2: {  	[smem:$0x3F9F] =	sst lr;
	_ =	strace $0xD0000000  }
0x3: {  	_ = 	snop  }
0x4: {  	_ = 	snop  }
0x5: {  	_ = 	snop  }
0x6: {  	_ = 	snop  }
0x7: {  	_ = 	snop  }
__scs_overlays_trampoline_lowered:
0x8: {  	[smem:$0x3FAE] =	sst s0  }
0x9: {  	[smem:$0x3FAF] =	sst s1  }
0xa: {  	[smem:$0x3FB0] =	sst s2  }
0xb: {  	[smem:$0x3FB1] =	sst s3  }
0xc: {  	[smem:$0x3FB2] =	sst s4  }
0xd: {  	[smem:$0x3FB3] =	sst s5  }
0xe: {  	[smem:$0x3FB4] =	sst s6  }
0xf: {  	[smem:$0x3FB5] =	sst s7  }
0x10: {  	[smem:$0x3FB6] =	sst s8  }
0x11: {  	[smem:$0x3FB7] =	sst s9;
	s0 =	simm.s32 @!p0 $0x0  }
0x12: {  	s1 =	sld [smem:$0x3F9D];
	s0 =	simm.s32 @p0 $0x1  }
0x13: {  	[smem:$0x3FB8] =	sst s0;
	s0 =	simm.s32 @!p1 $0x0  }
0x14: {  	s2 =	sld [smem:$0x3F9C];
	s0 =	simm.s32 @p1 $0x1  }
0x15: {  	[smem:$0x3FB9] =	sst s0;
	s0 =	simm.s32 @!p2 $0x0  }
0x16: {  	s3 =	sld [smem:$0x3FDB];
	s0 =	simm.s32 @p2 $0x1  }
0x17: {  	s4 =	simm.s32 $0x1BF5;
	[smem:$0x3FBB] =	sst s0  }
0x18: {  	s0 =	sld [smem:$0x3F9E];
	_ =	swait.ge [sflag:s4], $0x0  }
0x19: {  	s7 =	sld [smem:$0x3F9F]  }
0x1a: {  	s8 =	sadd.s32 $0xFFFFE003, lr  }
0x1b: {  	s9 =	sadd.s32 $0xFFFFFEF7, lr;
	s5 =	simm.s32 $0xFFFFFFFF;
	p2 =	slt.u32 s8, $0xFFFFF086  }
0x1c: {  	p1 =	slt.u32 s9, $0xF7A;
	s5 =	simm.s32 @!p2 $0x0  }
0x1d: {  	s5 =	simm.s32 @p1 $0x1;
	p0 =	seq.s32 s7, s2  }
0x1e: {  	s7 =	smul.u32 @!p0 $0xF7A, s2;
	p2 =	seq.s32 @!p0 s5, $0x0  }
0x1f: {  	s9 =	smul.u32 $0xF7A, s1;
	s8 =	simm.s32 @!p0 $0x1BF5;
	p2 =	por !p2, p0  }
0x20: {  	[sflag:s8] =	ssyncset.s32 @!p0 $0xFFFFF086;
	s6 =	sadd.s32 @!p0 s3, s7;
	s7 =	simm.s32 @!p0 $0x108  }
0x21: {  	s3 =	sadd.s32 s3, s9;
	s6 =	sadd.s32 @!p0 $0x88, s6;
	s7 =	simm.s32 @p2 $0x1082  }
0x22: {  	[simem:s7], [sflag:s8] =	dma.local @!p0 [hbm:s6], $0xF7A  }
0x23: {  	s9 =	sor.u32 $0xD0000000, s2;
	s6 =	simm.s32 $0x108;
	_ =	swait.ge @!p0 [sflag:s8], $0x0  }
0x24: {  	s3 =	sadd.s32 $0x88, s3;
	s6 =	simm.s32 @!p1 $0x1082;
	[sflag:s4] =	ssyncset.s32 $0xFFFFF086  }
0x25: {  	[simem:s6], [sflag:s4] =	dma.local [hbm:s3], $0xF7A  }
0x26: {  	[smem:$0x3F9F] =	sst s1;
	(tag) =	ssettag s2;
	_ =	strace s9  }
0x27: {  	s1 =	sld [smem:$0x3FAF]  }
0x28: {  	s2 =	sld [smem:$0x3FB0]  }
0x29: {  	s4 =	sld [smem:$0x3FB2]  }
0x2a: {  	p0 =	seq.s32 s5, $0x0;
	s5 =	sld [smem:$0x3FB3]  }
0x2b: {  	s6 =	sld [smem:$0x3FB4]  }
0x2c: {  	s7 =	sld [smem:$0x3FB5]  }
0x2d: {  	s3 =	simm.s32 $0x108;
	s8 =	sld [smem:$0x3FB6]  }
0x2e: {  	s3 =	simm.s32 @!p0 $0x1082;
	s9 =	sld [smem:$0x3FB7]  }
0x2f: {  	lr =	sadd.s32 s0, s3;
	s0 =	sld [smem:$0x3FAE]  }
0x30: {  	s3 =	sld [smem:$0x3FB1]  }
0x31: {  	[smem:$0x3FBA] =	sst s10  }
0x32: {  	s10 =	sld [smem:$0x3FB8];
	_ =	sdelay $0x3  }
0x33: {  	p0 =	seq.s32 s10, $0x1;
	s10 =	sld [smem:$0x3FBA];
	_ =	sdelay $0x3  }
0x34: {  	[smem:$0x3FBA] =	sst s10  }
0x35: {  	s10 =	sld [smem:$0x3FB9];
	_ =	sdelay $0x3  }
0x36: {  	p1 =	seq.s32 s10, $0x1;
	s10 =	sld [smem:$0x3FBA];
	_ =	sdelay $0x3  }
0x37: {  	[smem:$0x3FBA] =	sst s10  }
0x38: {  	s10 =	sld [smem:$0x3FBB]  }
0x39: {  	_ = 	snop;
	(pc) =	sbr.ind lr, $3  }
0x3a: {  	_ = 	snop  }
0x3b: {  	_ = 	snop  }
0x3c: {  	p2 =	seq.s32 s10, $0x1;
	s10 =	sld [smem:$0x3FBA]  }
0x3d: {  	_ =	shalt  }
0x3e: {  	_ =	shalt  }
0x3f: {  	_ =	shalt  }
0x40: {  	_ =	shalt  }
0x41: {  	_ =	shalt  }
0x42: {  	_ =	shalt  }
0x43: {  	_ =	shalt  }
0x44: {  	_ =	shalt  }
0x45: {  	_ =	shalt  }
0x46: {  	_ =	shalt  }
0x47: {  	_ =	shalt  }
0x48: {  	_ =	shalt  }
0x49: {  	_ =	shalt  }
0x4a: {  	_ =	shalt  }
0x4b: {  	_ =	shalt  }
0x4c: {  	_ =	shalt  }
0x4d: {  	_ =	shalt  }
0x4e: {  	_ =	shalt  }
0x4f: {  	_ =	shalt  }
0x50: {  	_ =	shalt  }
0x51: {  	_ =	shalt  }
0x52: {  	_ =	shalt  }
0x53: {  	_ =	shalt  }
0x54: {  	_ =	shalt  }
0x55: {  	_ =	shalt  }
0x56: {  	_ =	shalt  }
0x57: {  	_ =	shalt  }
0x58: {  	_ =	shalt  }
0x59: {  	_ =	shalt  }
0x5a: {  	_ =	shalt  }
0x5b: {  	_ =	shalt  }
0x5c: {  	_ =	shalt  }
0x5d: {  	_ =	shalt  }
0x5e: {  	_ =	shalt  }
0x5f: {  	_ =	shalt  }
0x60: {  	_ =	shalt  }
0x61: {  	_ =	shalt  }
0x62: {  	_ =	shalt  }
0x63: {  	_ =	shalt  }
0x64: {  	_ =	shalt  }
0x65: {  	_ =	shalt  }
0x66: {  	_ =	shalt  }
0x67: {  	_ =	shalt  }
0x68: {  	_ =	shalt  }
0x69: {  	_ =	shalt  }
0x6a: {  	_ =	shalt  }
0x6b: {  	_ =	shalt  }
0x6c: {  	_ =	shalt  }
0x6d: {  	_ =	shalt  }
0x6e: {  	_ =	shalt  }
0x6f: {  	_ =	shalt  }
0x70: {  	_ =	shalt  }
0x71: {  	_ =	shalt  }
0x72: {  	_ =	shalt  }
0x73: {  	_ =	shalt  }
0x74: {  	_ =	shalt  }
0x75: {  	_ =	shalt  }
0x76: {  	_ =	shalt  }
0x77: {  	_ =	shalt  }
0x78: {  	_ =	shalt  }
0x79: {  	_ =	shalt  }
0x7a: {  	_ =	shalt  }
0x7b: {  	_ =	shalt  }
0x7c: {  	_ =	shalt  }
0x7d: {  	_ =	shalt  }
0x7e: {  	_ =	shalt  }
0x7f: {  	_ =	shalt  }
0x80: {  	_ =	shalt  }
0x81: {  	_ =	shalt  }
0x82: {  	_ =	shalt  }
0x83: {  	_ =	shalt  }
0x84: {  	_ =	shalt  }
0x85: {  	_ =	shalt  }
0x86: {  	_ =	shalt  }
0x87: {  	_ =	shalt  }
.Lfunc_end0:
.L_simem_size_0:
called_computation_lowered:
.L_overlay_start_0:
0x88: {  	s2 =	sld [smem:$0x3FD9]  }
0x89: {  	s3 =	sld [smem:$0x3FFE];
	_ =	sdelay $0x1  }
0x8a: {  	s1 =	srdreg.scid  }
0x8b: {  	s0 =	sand.u32 $0x1, s1  }
0x8c: {  	s14 =	sshll.u32 s0, $0xA;
	s2 =	sadd.s32 s3, s2  }
0x8d: {  	s2 =	sadd.s32 s2, s14  }
0x8e: {  	[smem:$0x3FC6] =	sst s2  }
0x8f: {  	_ = 	snop  }
0x90: {  	s2 =	sld [smem:$0x3FD0];
	_ =	sdelay $0x2  }
0x91: {  	s15 =	simm.s32 $0xA;
	s4 =	simm.s32 $0x10  }
0x92: {  	[smem:s4], [sflag:s15] =	dma.local [hbm:s2], $0x1  }
0x93: {  	_ =	swait.eq [sflag:s15], $0x1  }
0x94: {  	[sflag:s15] =	ssyncset.done $0x0  }
0x95: {  	s16 =	sld [smem:$0x10];
	[sflag:s15] =	ssyncadd.s32 $0xFFFFFFFF  }
0x96: {  	s17 =	sld [smem:$0x12];
	(tm) =	ssettm $0x1  }
0x97: {  	s18 =	sld [smem:$0x3FFB];
	_ =	sdelay $0x3  }
0x98: {  	_ =	strace s18  }
0x99: {  	s4 =	sld [smem:$0x3FFC];
	_ =	sdelay $0x3  }
0x9a: {  	_ =	strace s4  }
0x9b: {  	s4 =	sld [smem:$0x3FFD];
	_ =	sdelay $0x3  }
0x9c: {  	_ =	strace s4  }
0x9d: {  	_ =	strace $0x8FFFFFFF  }
0x9e: {  	s19 =	sld [smem:$0x3FDB];
	_ =	sdelay $0x1  }
0x9f: {  	s5 =	simm.s32 $_scs_section_size  }
0xa0: {  	s6 =	simm.s32 $_size__tile_overlayer_lowered;
	s7 =	simm.s32 $_tile_overlayer_lowered  }
0xa1: {  	s22 =	simm.s32 $0x1BFF;
	s21 =	sshll.u32 s7, $0x1;
	s4 =	sadd.s32 s5, s19  }
0xa2: {  	s8 =	simm.s32 $0x0;
	s20 =	sshll.u32 s6, $0x1;
	s6 =	sadd.s32 s21, s4  }
0xa3: {  	[timem:s8], [sflag:s22] =	dma.local [hbm:s6], s20  }
0xa4: {  	_ =	swait.ge [sflag:s22], s20  }
0xa5: {  	s5 =	ssub.s32 $0x0, s20;
	[sflag:s22] =	ssyncset.done $0x0  }
0xa6: {  	[sflag:s22] =	ssyncadd.s32 s5;
	_ =	sdelay $0x1  }
0xa7: {  	s23 =	simm.s32 $0x1B8B  }
0xa8: {  	_ =	swait.ge [sflag:s23], $0x1  }
0xa9: {  	[sflag:s23] =	ssyncset.done $0x0  }
0xaa: {  	s25 =	simm.s32 $0x1B8E;
	s24 =	sld [smem:$0x3FFE];
	[sflag:s23] =	ssyncadd.s32 $0xFFFFFFFF  }
0xab: {  	s26 =	simm.s32 $execute0_lowered;
	[smem:$0x3FD2] =	sst s25  }
0xac: {  	s6 =	sshll.u32 s26, $0x1;
	_ =	strace $0x80000046;
	[dreg:$0x1] =	wrdreg $0xFFFFFFFF  }
0xad: {  	s28 =	simm.s32 $_size_execute0_lowered;
	s4 =	sadd.s32 s4, s6;
	[dreg:$0x0] =	wrdreg $0x0  }
0xae: {  	s6 =	sshll.u32 s28, $0x1;
	[dreg:$0x2] =	wrdreg s4  }
0xaf: {  	[dreg:$0x3] =	wrdreg s6  }
0xb0: {  	[dreg:$0x4] =	wrdreg $0xC0  }
0xb1: {  	_ =	task [dreg:s8], $0x5FFFF  }
0xb2: {  	[dreg:$0x1] =	wrdreg $0xFFFFFFFF  }
0xb3: {  	[dreg:$0x0] =	wrdreg $0x60  }
0xb4: {  	[dreg:$0x2] =	wrdreg s16  }
0xb5: {  	[dreg:$0x3] =	wrdreg s17  }
0xb6: {  	[dreg:$0x4] =	wrdreg s24  }
0xb7: {  	[dreg:$0x5] =	wrdreg $0x0  }
0xb8: {  	[dreg:$0x6] =	wrdreg $0x9  }
0xb9: {  	_ =	task.clear_ibuf [dreg:s8], $0x7FFFF;
	_ =	strace $0x90000046  }
0xba: {  	s29 =	simm.s32 $0x9;
	_ =	strace $0x80000048  }
0xbb: {  	_ =	swait.ge [sflag:s29], $0x1  }
0xbc: {  	[sflag:s29] =	ssyncadd.s32 $0xFFFFFFFF  }
0xbd: {  	_ =	strace $0x90000048  }
0xbe: {  	_ =	sfence  }
0xbf: {  	s30 =	sld [smem:$0x0];
	_ =	sdelay $0x2  }
0xc0: {  	s31 =	sshll.u32 s1, $0xD;
	s1 =	sshrl.u32 s1, $0x2  }
0xc1: {  	s3 =	sand.u32 $0x4000, s31;
	s1 =	sadd.s32 s1, s30  }
0xc2: {  	s0 =	sor.u32 s3, s0;
	s1 =	sshll.u32 s1, $0x11  }
0xc3: {  	s0 =	sor.u32 s1, s0  }
0xc4: {  	s0 =	sadd.s32 $0x8F2B, s0  }
0xc5: {  	[sflag:s0] =	ssyncadd.remote.s32 $0x1  }
0xc6: {  	_ =	sfence.sel $0xFFFF  }
0xc7: {  	[dreg:$0x0] =	wrdreg $0xFFFFFFFF;
	(pc) =	sbr.abs _section_cstart, $3  }
0xc8: {  	[dreg:$0x1] =	wrdreg $0xFFFFFFFF  }
0xc9: {  	_ =	task.clear_ibuf [dreg:s8], $0x2FFFF;
	_ =	strace $0x9FFFFFFF  }
0xca: {  	(tm) =	ssettm $0x7FFFFFFF  }
0xcb: {  	_ =	shalt  }
tec
execute0_lowered:
.L_overlay_start_1:
0x0: {  	(tag) =	ssettag $0x1  }
0x1: {  	s0 =	rddreg [dreg:$0x0]  }
0x2: {  	s29 =	rddreg [dreg:$0x1]  }
0x3: {  	s3 =	rddreg [dreg:$0x2]  }
0x4: {  	s1 =	srdreg.scid;
	s2 =	rddreg [dreg:$0x3]  }
0x5: {  	s4 =	stileid.u32;
	s30 =	rddreg [dreg:$0x4]  }
0x6: {  	s23 =	simm.s32 $0x1080;
	s24 =	simm.s32 $0x1100;
	s25 =	simm.s32 $0x1180  }
0x7: {  	[dreg:$0x5] =	wrdreg s0;
	s5 =	sand.u32 $0x1, s1;
	s1 =	simm.s32 $0x0  }
0x8: {  	s6 =	sshll.u32 s4, $0xC;
	s7 =	sshll.u32 s5, $0xB;
	[smem:$0x7FF] =	sst s1  }
0x9: {  	s6 =	sor.u32 s7, s6;
	_ =	strace $0x80000047;
	[dreg:$0x18] =	wrdreg s23  }
0xa: {  	[dreg:$0x19] =	wrdreg s24;
	s7 =	sshll.u32 s6, $0x4;
	s6 =	sshrl.u32 s6, $0x3  }
0xb: {  	[dreg:$0x1a] =	wrdreg s25;
	s0 =	sadd.s32 s29, s6  }
0xc: {  	s3 =	sadd.s32 s7, s3;
	s29 =	simm.s32 $0x1200;
	[dreg:$0x6] =	wrdreg s0  }
0xd: {  	s31 =	sadd.s32 $0xA00, s3;
	[dreg:$0x1b] =	wrdreg s29  }
0xe: {  	s6 =	sadd.s32 $0x1200, s3;
	[dreg:$0x7] =	wrdreg s31  }
0xf: {  	s7 =	sadd.s32 $0x1A00, s3;
	[dreg:$0x8] =	wrdreg s6  }
0x10: {  	s8 =	sadd.s32 $0x2200, s3;
	[dreg:$0x9] =	wrdreg s7  }
0x11: {  	s26 =	simm.s32 $0x1000;
	s9 =	sadd.s32 $0x2A00, s3;
	[dreg:$0xa] =	wrdreg s8  }
0x12: {  	s28 =	simm.s32 $0x9;
	s10 =	sadd.s32 $0x3200, s3;
	[dreg:$0xb] =	wrdreg s9  }
0x13: {  	p1 =	por $0x0, $0x0;
	s11 =	sadd.s32 $0x3A00, s3;
	[dreg:$0xc] =	wrdreg s10  }
0x14: {  	p0 =	sne.s32 s4, $0x0;
	s12 =	sadd.s32 $0x4200, s3;
	[dreg:$0xd] =	wrdreg s11  }
0x15: {  	s4 =	simm.s32 $0x5;
	s13 =	sadd.s32 $0x4A00, s3;
	[dreg:$0xe] =	wrdreg s12  }
0x16: {  	s5 =	ssub.s32 $0x2, s5;
	s14 =	sadd.s32 $0x5200, s3;
	[dreg:$0xf] =	wrdreg s13  }
0x17: {  	s19 =	sshrl.u32 s5, $0x1;
	s15 =	sadd.s32 $0x5A00, s3;
	[dreg:$0x10] =	wrdreg s14  }
0x18: {  	s25 =	simm.s32 $0x1300;
	s16 =	sadd.s32 $0x6200, s3;
	[dreg:$0x11] =	wrdreg s15  }
0x19: {  	s24 =	simm.s32 $0x1380;
	s17 =	sadd.s32 $0x6A00, s3;
	[dreg:$0x12] =	wrdreg s16  }
0x1a: {  	s23 =	simm.s32 $0x1400;
	s18 =	sadd.s32 $0x7200, s3;
	[dreg:$0x13] =	wrdreg s17  }
0x1b: {  	s22 =	ssub.s32 s5, s19;
	s20 =	sadd.s32 $0x7A00, s3;
	[dreg:$0x14] =	wrdreg s18  }
0x1c: {  	s5 =	simm.s32 $0x6;
	s21 =	sadd.s32 $0x8200, s3;
	[dreg:$0x15] =	wrdreg s20  }
0x1d: {  	s19 =	simm.s32 $0x1600;
	s0 =	sshrl.u32 @!p0 s2, $0x3;
	[dreg:$0x16] =	wrdreg s21  }
0x1e: {  	s3 =	simm.s32 $0xD800;
	s16 =	smax.u32 s22, $0x1;
	[dreg:$0x17] =	wrdreg s0  }
0x1f: {  	s11 =	simm.s32 $0x80;
	s10 =	simm.s32 $0x1800;
	s16 =	sadd.s32 $0xFFFFFFFF, s16  }
0x20: {  	s9 =	simm.s32 $0x5800;
	s8 =	simm.s32 $0x9800;
	p2 =	sne.s32 s16, $0x0  }
.Ltmp0:
0x21: {  	s14 =	simm.s32 $0x1;
	s31 =	simm.s32 $0x1280;
	(pc) =	sbr.rel @!p2 .LBB2_1-.Ltmp0, $4  }
0x22: {  	s15 =	simm.s32 $0x2;
	s13 =	simm.s32 $0x3;
	s6 =	simm.s32 $0x7  }
0x23: {  	s12 =	simm.s32 $0x4;
	s7 =	simm.s32 $0x8;
	s22 =	simm.s32 $0x1480  }
0x24: {  	s21 =	simm.s32 $0x1500;
	s20 =	simm.s32 $0x1580;
	[dreg:$0x1c] =	wrdreg s31  }
0x25: {  	s18 =	simm.s32 $0x1680;
	s17 =	simm.s32 $0x1700;
	s0 =	rddreg [dreg:$0x17]  }
0x26: {  	s31 =	rddreg [dreg:$0x5];
	s29 =	simm.s32 @!p0 $0x1C09;
	s30 =	simm.s32 @!p0 $0x9  }
0x27: {  	[spmem:s0], [sflag:s29] =	dma.local @!p0 [hbm:s31], $0x2000  }
0x28: {  	_ =	swait.ge @!p0 [sflag:s30], $0x2000  }
0x29: {  	[sflag:s30] =	ssyncset.done @!p0 $0x0  }
0x2a: {  	s0 =	rddreg [dreg:$0x6];
	[sflag:s30] =	ssyncadd.s32 @!p0 $0xFFFFE000  }
0x2b: {  	[tilespmem:s26], [sflag:$0x9] =	stream.linear.gather [hbm4b:s0+s1], $0x800, $0x38;
	[tilespmem:$0x11800] =	vst v63  }
0x2c: {  	_ =	swait.ge [sflag:s28], $0x800  }
0x2d: {  	[sflag:s28] =	ssyncset.done $0x0  }
0x2e: {  	[sflag:s28] =	ssyncadd.s32 $0xFFFFF800  }
0x2f: {  	[bflag:$0x0] =	sbarrier.arrive $0xFFFF  }
0x30: {  	[tilespmem:s10], [sflag:$0x1] =	stream.indirect.gather [spmem:s2], $0x80, s26, s11, $0xb8;
	[tilespmem:$0x11800] =	vst v63  }
0x31: {  	s0 =	rddreg [dreg:$0x18]  }
0x32: {  	[tilespmem:s9], [sflag:$0x2] =	stream.indirect.gather [spmem:s2], $0x80, s0, s11, $0xb8;
	[tilespmem:$0x11800] =	vst v63  }
0x33: {  	s31 =	rddreg [dreg:$0x19]  }
0x34: {  	[tilespmem:s8], [sflag:$0x3] =	stream.indirect.gather [spmem:s2], $0x80, s31, s11, $0xb8;
	[tilespmem:$0x11800] =	vst v63  }
0x35: {  	s0 =	rddreg [dreg:$0x1a]  }
0x36: {  	[tilespmem:s3], [sflag:$0x4] =	stream.indirect.gather [spmem:s2], $0x80, s0, s11, $0xb8;
	[tilespmem:$0x11800] =	vst v63  }
0x37: {  	_ =	swait.ge [sflag:s14], $0x4000  }
0x38: {  	[sflag:s14] =	ssyncset.done $0x0  }
0x39: {  	s0 =	rddreg [dreg:$0x7];
	[sflag:s14] =	ssyncadd.s32 $0xFFFFC000  }
0x3a: {  	[hbm4b:s0+s1] =	stream.linear.scatter [tilespmem:s10], [sflag:$0x5], $0x4000, $0x38;
	[tilespmem:$0x11800] =	vst v63  }
0x3b: {  	_ =	swait.ge [sflag:s4], $0x4000  }
0x3c: {  	[sflag:s4] =	ssyncset.done $0x0  }
0x3d: {  	s0 =	rddreg [dreg:$0x1b];
	[sflag:s4] =	ssyncadd.s32 $0xFFFFC000  }
0x3e: {  	[tilespmem:s10], [sflag:$0x1] =	stream.indirect.gather [spmem:s2], $0x80, s0, s11, $0xb8;
	[tilespmem:$0x11800] =	vst v63  }
0x3f: {  	_ =	swait.ge [sflag:s15], $0x4000  }
0x40: {  	[sflag:s15] =	ssyncset.done $0x0  }
0x41: {  	s0 =	rddreg [dreg:$0x8];
	[sflag:s15] =	ssyncadd.s32 $0xFFFFC000  }
0x42: {  	[hbm4b:s0+s1] =	stream.linear.scatter [tilespmem:s9], [sflag:$0x6], $0x4000, $0x38;
	[tilespmem:$0x11800] =	vst v63  }
0x43: {  	_ =	swait.ge [sflag:s5], $0x4000  }
0x44: {  	[sflag:s5] =	ssyncset.done $0x0  }
0x45: {  	s0 =	rddreg [dreg:$0x1c];
	[sflag:s5] =	ssyncadd.s32 $0xFFFFC000  }
0x46: {  	[tilespmem:s9], [sflag:$0x2] =	stream.indirect.gather [spmem:s2], $0x80, s0, s11, $0xb8;
	[tilespmem:$0x11800] =	vst v63  }
0x47: {  	_ =	swait.ge [sflag:s13], $0x4000  }
0x48: {  	[sflag:s13] =	ssyncset.done $0x0  }
0x49: {  	s0 =	rddreg [dreg:$0x9];
	[sflag:s13] =	ssyncadd.s32 $0xFFFFC000  }
0x4a: {  	[hbm4b:s0+s1] =	stream.linear.scatter [tilespmem:s8], [sflag:$0x7], $0x4000, $0x38;
	[tilespmem:$0x11800] =	vst v63  }
0x4b: {  	_ =	swait.ge [sflag:s6], $0x4000  }
0x4c: {  	[sflag:s6] =	ssyncset.done $0x0  }
0x4d: {  	[sflag:s6] =	ssyncadd.s32 $0xFFFFC000  }
0x4e: {  	[tilespmem:s8], [sflag:$0x3] =	stream.indirect.gather [spmem:s2], $0x80, s25, s11, $0xb8;
	[tilespmem:$0x11800] =	vst v63  }
0x4f: {  	_ =	swait.ge [sflag:s12], $0x4000  }
0x50: {  	[sflag:s12] =	ssyncset.done $0x0  }
0x51: {  	s0 =	rddreg [dreg:$0xa];
	[sflag:s12] =	ssyncadd.s32 $0xFFFFC000  }
0x52: {  	[hbm4b:s0+s1] =	stream.linear.scatter [tilespmem:s3], [sflag:$0x8], $0x4000, $0x38;
	[tilespmem:$0x11800] =	vst v63  }
0x53: {  	_ =	swait.ge [sflag:s7], $0x4000  }
0x54: {  	[sflag:s7] =	ssyncset.done $0x0  }
0x55: {  	[sflag:s7] =	ssyncadd.s32 $0xFFFFC000  }
0x56: {  	[tilespmem:s3], [sflag:$0x4] =	stream.indirect.gather [spmem:s2], $0x80, s24, s11, $0xb8;
	[tilespmem:$0x11800] =	vst v63  }
0x57: {  	_ =	swait.ge [sflag:s14], $0x4000  }
0x58: {  	[sflag:s14] =	ssyncset.done $0x0  }
0x59: {  	s0 =	rddreg [dreg:$0xb];
	[sflag:s14] =	ssyncadd.s32 $0xFFFFC000  }
0x5a: {  	[hbm4b:s0+s1] =	stream.linear.scatter [tilespmem:s10], [sflag:$0x5], $0x4000, $0x38;
	[tilespmem:$0x11800] =	vst v63  }
0x5b: {  	_ =	swait.ge [sflag:s4], $0x4000  }
0x5c: {  	[sflag:s4] =	ssyncset.done $0x0  }
0x5d: {  	[sflag:s4] =	ssyncadd.s32 $0xFFFFC000  }
0x5e: {  	[tilespmem:s10], [sflag:$0x1] =	stream.indirect.gather [spmem:s2], $0x80, s23, s11, $0xb8;
	[tilespmem:$0x11800] =	vst v63  }
0x5f: {  	_ =	swait.ge [sflag:s15], $0x4000  }
0x60: {  	[sflag:s15] =	ssyncset.done $0x0  }
0x61: {  	s0 =	rddreg [dreg:$0xc];
	[sflag:s15] =	ssyncadd.s32 $0xFFFFC000  }
0x62: {  	[hbm4b:s0+s1] =	stream.linear.scatter [tilespmem:s9], [sflag:$0x6], $0x4000, $0x38;
	[tilespmem:$0x11800] =	vst v63  }
0x63: {  	_ =	swait.ge [sflag:s5], $0x4000  }
0x64: {  	[sflag:s5] =	ssyncset.done $0x0  }
0x65: {  	[sflag:s5] =	ssyncadd.s32 $0xFFFFC000  }
0x66: {  	[tilespmem:s9], [sflag:$0x2] =	stream.indirect.gather [spmem:s2], $0x80, s22, s11, $0xb8;
	[tilespmem:$0x11800] =	vst v63  }
0x67: {  	_ =	swait.ge [sflag:s13], $0x4000  }
0x68: {  	[sflag:s13] =	ssyncset.done $0x0  }
0x69: {  	s0 =	rddreg [dreg:$0xd];
	[sflag:s13] =	ssyncadd.s32 $0xFFFFC000  }
0x6a: {  	[hbm4b:s0+s1] =	stream.linear.scatter [tilespmem:s8], [sflag:$0x7], $0x4000, $0x38;
	[tilespmem:$0x11800] =	vst v63  }
0x6b: {  	_ =	swait.ge [sflag:s6], $0x4000  }
0x6c: {  	[sflag:s6] =	ssyncset.done $0x0  }
0x6d: {  	[sflag:s6] =	ssyncadd.s32 $0xFFFFC000  }
0x6e: {  	[tilespmem:s8], [sflag:$0x3] =	stream.indirect.gather [spmem:s2], $0x80, s21, s11, $0xb8;
	[tilespmem:$0x11800] =	vst v63  }
0x6f: {  	_ =	swait.ge [sflag:s12], $0x4000  }
0x70: {  	[sflag:s12] =	ssyncset.done $0x0  }
0x71: {  	s0 =	rddreg [dreg:$0xe];
	[sflag:s12] =	ssyncadd.s32 $0xFFFFC000  }
0x72: {  	[hbm4b:s0+s1] =	stream.linear.scatter [tilespmem:s3], [sflag:$0x8], $0x4000, $0x38;
	[tilespmem:$0x11800] =	vst v63  }
0x73: {  	_ =	swait.ge [sflag:s7], $0x4000  }
0x74: {  	[sflag:s7] =	ssyncset.done $0x0  }
0x75: {  	[sflag:s7] =	ssyncadd.s32 $0xFFFFC000  }
0x76: {  	[tilespmem:s3], [sflag:$0x4] =	stream.indirect.gather [spmem:s2], $0x80, s20, s11, $0xb8;
	[tilespmem:$0x11800] =	vst v63  }
0x77: {  	_ =	swait.ge [sflag:s14], $0x4000  }
0x78: {  	[sflag:s14] =	ssyncset.done $0x0  }
0x79: {  	s0 =	rddreg [dreg:$0xf];
	[sflag:s14] =	ssyncadd.s32 $0xFFFFC000  }
0x7a: {  	[hbm4b:s0+s1] =	stream.linear.scatter [tilespmem:s10], [sflag:$0x5], $0x4000, $0x38;
	[tilespmem:$0x11800] =	vst v63  }
0x7b: {  	_ =	swait.ge [sflag:s4], $0x4000  }
0x7c: {  	[sflag:s4] =	ssyncset.done $0x0  }
0x7d: {  	[sflag:s4] =	ssyncadd.s32 $0xFFFFC000  }
0x7e: {  	[tilespmem:s10], [sflag:$0x1] =	stream.indirect.gather [spmem:s2], $0x80, s19, s11, $0xb8;
	[tilespmem:$0x11800] =	vst v63  }
0x7f: {  	_ =	swait.ge [sflag:s15], $0x4000  }
0x80: {  	[sflag:s15] =	ssyncset.done $0x0  }
0x81: {  	s0 =	rddreg [dreg:$0x10];
	[sflag:s15] =	ssyncadd.s32 $0xFFFFC000  }
0x82: {  	[hbm4b:s0+s1] =	stream.linear.scatter [tilespmem:s9], [sflag:$0x6], $0x4000, $0x38;
	[tilespmem:$0x11800] =	vst v63  }
0x83: {  	_ =	swait.ge [sflag:s5], $0x4000  }
0x84: {  	[sflag:s5] =	ssyncset.done $0x0  }
0x85: {  	[sflag:s5] =	ssyncadd.s32 $0xFFFFC000  }
0x86: {  	[tilespmem:s9], [sflag:$0x2] =	stream.indirect.gather [spmem:s2], $0x80, s18, s11, $0xb8;
	[tilespmem:$0x11800] =	vst v63  }
0x87: {  	_ =	swait.ge [sflag:s13], $0x4000  }
0x88: {  	[sflag:s13] =	ssyncset.done $0x0  }
0x89: {  	s0 =	rddreg [dreg:$0x11];
	[sflag:s13] =	ssyncadd.s32 $0xFFFFC000  }
0x8a: {  	[hbm4b:s0+s1] =	stream.linear.scatter [tilespmem:s8], [sflag:$0x7], $0x4000, $0x38;
	[tilespmem:$0x11800] =	vst v63  }
0x8b: {  	_ =	swait.ge [sflag:s6], $0x4000  }
0x8c: {  	[sflag:s6] =	ssyncset.done $0x0  }
0x8d: {  	[sflag:s6] =	ssyncadd.s32 $0xFFFFC000  }
0x8e: {  	[tilespmem:s8], [sflag:$0x3] =	stream.indirect.gather [spmem:s2], $0x80, s17, s11, $0xb8;
	[tilespmem:$0x11800] =	vst v63  }
0x8f: {  	_ =	swait.ge [sflag:s12], $0x4000  }
0x90: {  	[sflag:s12] =	ssyncset.done $0x0  }
0x91: {  	s0 =	rddreg [dreg:$0x12];
	[sflag:s12] =	ssyncadd.s32 $0xFFFFC000  }
0x92: {  	[hbm4b:s0+s1] =	stream.linear.scatter [tilespmem:s3], [sflag:$0x8], $0x4000, $0x38;
	[tilespmem:$0x11800] =	vst v63  }
0x93: {  	_ =	swait.ge [sflag:s7], $0x4000  }
0x94: {  	[sflag:s7] =	ssyncset.done $0x0  }
0x95: {  	s0 =	simm.s32 $0x1780;
	[sflag:s7] =	ssyncadd.s32 $0xFFFFC000  }
0x96: {  	[tilespmem:s3], [sflag:$0x4] =	stream.indirect.gather [spmem:s2], $0x80, s0, s11, $0xb8;
	[tilespmem:$0x11800] =	vst v63  }
0x97: {  	_ =	swait.ge [sflag:s14], $0x4000  }
0x98: {  	[sflag:s14] =	ssyncset.done $0x0  }
0x99: {  	s0 =	rddreg [dreg:$0x13];
	[sflag:s14] =	ssyncadd.s32 $0xFFFFC000  }
0x9a: {  	[hbm4b:s0+s1] =	stream.linear.scatter [tilespmem:s10], [sflag:$0x5], $0x4000, $0x38;
	[tilespmem:$0x11800] =	vst v63  }
0x9b: {  	_ =	swait.ge [sflag:s15], $0x4000  }
0x9c: {  	[sflag:s15] =	ssyncset.done $0x0  }
0x9d: {  	s0 =	rddreg [dreg:$0x14];
	[sflag:s15] =	ssyncadd.s32 $0xFFFFC000  }
0x9e: {  	[hbm4b:s0+s1] =	stream.linear.scatter [tilespmem:s9], [sflag:$0x6], $0x4000, $0x38;
	[tilespmem:$0x11800] =	vst v63  }
0x9f: {  	_ =	swait.ge [sflag:s13], $0x4000  }
0xa0: {  	[sflag:s13] =	ssyncset.done $0x0  }
0xa1: {  	s0 =	rddreg [dreg:$0x15];
	[sflag:s13] =	ssyncadd.s32 $0xFFFFC000  }
0xa2: {  	[hbm4b:s0+s1] =	stream.linear.scatter [tilespmem:s8], [sflag:$0x7], $0x4000, $0x38;
	[tilespmem:$0x11800] =	vst v63  }
0xa3: {  	_ =	swait.ge [sflag:s12], $0x4000  }
0xa4: {  	[sflag:s12] =	ssyncset.done $0x0  }
0xa5: {  	s0 =	rddreg [dreg:$0x16];
	[sflag:s12] =	ssyncadd.s32 $0xFFFFC000  }
0xa6: {  	[hbm4b:s0+s1] =	stream.linear.scatter [tilespmem:s3], [sflag:$0x8], $0x4000, $0x38;
	[tilespmem:$0x11800] =	vst v63  }
0xa7: {  	_ =	swait.ge [sflag:s4], $0x4000  }
0xa8: {  	[sflag:s4] =	ssyncset.done $0x0  }
0xa9: {  	[sflag:s4] =	ssyncadd.s32 $0xFFFFC000  }
0xaa: {  	_ =	swait.ge [sflag:s5], $0x4000  }
0xab: {  	s31 =	sadd.s32 $0xFFFFFFFF, s16;
	[sflag:s5] =	ssyncset.done $0x0  }
0xac: {  	p2 =	sne.s32 s31, $0x0;
	[sflag:s5] =	ssyncadd.s32 $0xFFFFC000  }
.Ltmp1:
0xad: {  	_ =	swait.ge [sflag:s6], $0x4000;
	(pc) =	sbr.rel @!p2 .LBB2_3-.Ltmp1, $4  }
0xae: {  	[sflag:s6] =	ssyncset.done $0x0  }
0xaf: {  	[sflag:s6] =	ssyncadd.s32 $0xFFFFC000  }
0xb0: {  	_ =	swait.ge [sflag:s7], $0x4000  }
0xb1: {  	p1 =	por $0x1, $0x1;
	s0 =	rddreg [dreg:$0x17];
	[sflag:s7] =	ssyncset.done $0x0  }
.LBB2_4:
0xb2: {  	s16 =	rddreg [dreg:$0x5];
	[sflag:s7] =	ssyncadd.s32 $0xFFFFC000  }
0xb3: {  	[spmem:s0], [sflag:s29] =	dma.local @!p0 [hbm:s16], $0x2000  }
0xb4: {  	_ =	swait.ge @!p0 [sflag:s30], $0x2000  }
0xb5: {  	[sflag:s30] =	ssyncset.done @!p0 $0x0  }
0xb6: {  	s16 =	rddreg [dreg:$0x6];
	[sflag:s30] =	ssyncadd.s32 @!p0 $0xFFFFE000  }
0xb7: {  	[tilespmem:s26], [sflag:$0x9] =	stream.linear.gather [hbm4b:s16+s1], $0x800, $0x38;
	[tilespmem:$0x11800] =	vst v63  }
0xb8: {  	_ =	swait.ge [sflag:s28], $0x800  }
0xb9: {  	[sflag:s28] =	ssyncset.done $0x0  }
0xba: {  	[sflag:s28] =	ssyncadd.s32 $0xFFFFF800  }
0xbb: {  	[bflag:$0x0] =	sbarrier.arrive $0xFFFF  }
0xbc: {  	[tilespmem:s10], [sflag:$0x1] =	stream.indirect.gather [spmem:s2], $0x80, s26, s11, $0xb8;
	[tilespmem:$0x11800] =	vst v63  }
0xbd: {  	s0 =	rddreg [dreg:$0x18]  }
0xbe: {  	[tilespmem:s9], [sflag:$0x2] =	stream.indirect.gather [spmem:s2], $0x80, s0, s11, $0xb8;
	[tilespmem:$0x11800] =	vst v63  }
0xbf: {  	s16 =	rddreg [dreg:$0x19]  }
0xc0: {  	[tilespmem:s8], [sflag:$0x3] =	stream.indirect.gather [spmem:s2], $0x80, s16, s11, $0xb8;
	[tilespmem:$0x11800] =	vst v63  }
0xc1: {  	s0 =	rddreg [dreg:$0x1a]  }
0xc2: {  	[tilespmem:s3], [sflag:$0x4] =	stream.indirect.gather [spmem:s2], $0x80, s0, s11, $0xb8;
	[tilespmem:$0x11800] =	vst v63  }
0xc3: {  	_ =	swait.ge [sflag:s14], $0x4000  }
0xc4: {  	[sflag:s14] =	ssyncset.done $0x0  }
0xc5: {  	s0 =	rddreg [dreg:$0x7];
	[sflag:s14] =	ssyncadd.s32 $0xFFFFC000  }
0xc6: {  	[hbm4b:s0+s1] =	stream.linear.scatter [tilespmem:s10], [sflag:$0x5], $0x4000, $0x38;
	[tilespmem:$0x11800] =	vst v63  }
0xc7: {  	_ =	swait.ge [sflag:s4], $0x4000  }
0xc8: {  	[sflag:s4] =	ssyncset.done $0x0  }
0xc9: {  	s0 =	rddreg [dreg:$0x1b];
	[sflag:s4] =	ssyncadd.s32 $0xFFFFC000  }
0xca: {  	[tilespmem:s10], [sflag:$0x1] =	stream.indirect.gather [spmem:s2], $0x80, s0, s11, $0xb8;
	[tilespmem:$0x11800] =	vst v63  }
0xcb: {  	_ =	swait.ge [sflag:s15], $0x4000  }
0xcc: {  	[sflag:s15] =	ssyncset.done $0x0  }
0xcd: {  	s0 =	rddreg [dreg:$0x8];
	[sflag:s15] =	ssyncadd.s32 $0xFFFFC000  }
0xce: {  	[hbm4b:s0+s1] =	stream.linear.scatter [tilespmem:s9], [sflag:$0x6], $0x4000, $0x38;
	[tilespmem:$0x11800] =	vst v63  }
0xcf: {  	_ =	swait.ge [sflag:s5], $0x4000  }
0xd0: {  	[sflag:s5] =	ssyncset.done $0x0  }
0xd1: {  	s0 =	rddreg [dreg:$0x1c];
	[sflag:s5] =	ssyncadd.s32 $0xFFFFC000  }
0xd2: {  	[tilespmem:s9], [sflag:$0x2] =	stream.indirect.gather [spmem:s2], $0x80, s0, s11, $0xb8;
	[tilespmem:$0x11800] =	vst v63  }
0xd3: {  	_ =	swait.ge [sflag:s13], $0x4000  }
0xd4: {  	[sflag:s13] =	ssyncset.done $0x0  }
0xd5: {  	s0 =	rddreg [dreg:$0x9];
	[sflag:s13] =	ssyncadd.s32 $0xFFFFC000  }
0xd6: {  	[hbm4b:s0+s1] =	stream.linear.scatter [tilespmem:s8], [sflag:$0x7], $0x4000, $0x38;
	[tilespmem:$0x11800] =	vst v63  }
0xd7: {  	_ =	swait.ge [sflag:s6], $0x4000  }
0xd8: {  	[sflag:s6] =	ssyncset.done $0x0  }
0xd9: {  	[sflag:s6] =	ssyncadd.s32 $0xFFFFC000  }
0xda: {  	[tilespmem:s8], [sflag:$0x3] =	stream.indirect.gather [spmem:s2], $0x80, s25, s11, $0xb8;
	[tilespmem:$0x11800] =	vst v63  }
0xdb: {  	_ =	swait.ge [sflag:s12], $0x4000  }
0xdc: {  	[sflag:s12] =	ssyncset.done $0x0  }
0xdd: {  	s0 =	rddreg [dreg:$0xa];
	[sflag:s12] =	ssyncadd.s32 $0xFFFFC000  }
0xde: {  	[hbm4b:s0+s1] =	stream.linear.scatter [tilespmem:s3], [sflag:$0x8], $0x4000, $0x38;
	[tilespmem:$0x11800] =	vst v63  }
0xdf: {  	_ =	swait.ge [sflag:s7], $0x4000  }
0xe0: {  	[sflag:s7] =	ssyncset.done $0x0  }
0xe1: {  	[sflag:s7] =	ssyncadd.s32 $0xFFFFC000  }
0xe2: {  	[tilespmem:s3], [sflag:$0x4] =	stream.indirect.gather [spmem:s2], $0x80, s24, s11, $0xb8;
	[tilespmem:$0x11800] =	vst v63  }
0xe3: {  	_ =	swait.ge [sflag:s14], $0x4000  }
0xe4: {  	[sflag:s14] =	ssyncset.done $0x0  }
0xe5: {  	s0 =	rddreg [dreg:$0xb];
	[sflag:s14] =	ssyncadd.s32 $0xFFFFC000  }
0xe6: {  	[hbm4b:s0+s1] =	stream.linear.scatter [tilespmem:s10], [sflag:$0x5], $0x4000, $0x38;
	[tilespmem:$0x11800] =	vst v63  }
0xe7: {  	_ =	swait.ge [sflag:s4], $0x4000  }
0xe8: {  	[sflag:s4] =	ssyncset.done $0x0  }
0xe9: {  	[sflag:s4] =	ssyncadd.s32 $0xFFFFC000  }
0xea: {  	[tilespmem:s10], [sflag:$0x1] =	stream.indirect.gather [spmem:s2], $0x80, s23, s11, $0xb8;
	[tilespmem:$0x11800] =	vst v63  }
0xeb: {  	_ =	swait.ge [sflag:s15], $0x4000  }
0xec: {  	[sflag:s15] =	ssyncset.done $0x0  }
0xed: {  	s0 =	rddreg [dreg:$0xc];
	[sflag:s15] =	ssyncadd.s32 $0xFFFFC000  }
0xee: {  	[hbm4b:s0+s1] =	stream.linear.scatter [tilespmem:s9], [sflag:$0x6], $0x4000, $0x38;
	[tilespmem:$0x11800] =	vst v63  }
0xef: {  	_ =	swait.ge [sflag:s5], $0x4000  }
0xf0: {  	[sflag:s5] =	ssyncset.done $0x0  }
0xf1: {  	[sflag:s5] =	ssyncadd.s32 $0xFFFFC000  }
0xf2: {  	[tilespmem:s9], [sflag:$0x2] =	stream.indirect.gather [spmem:s2], $0x80, s22, s11, $0xb8;
	[tilespmem:$0x11800] =	vst v63  }
0xf3: {  	_ =	swait.ge [sflag:s13], $0x4000  }
0xf4: {  	[sflag:s13] =	ssyncset.done $0x0  }
0xf5: {  	s0 =	rddreg [dreg:$0xd];
	[sflag:s13] =	ssyncadd.s32 $0xFFFFC000  }
0xf6: {  	[hbm4b:s0+s1] =	stream.linear.scatter [tilespmem:s8], [sflag:$0x7], $0x4000, $0x38;
	[tilespmem:$0x11800] =	vst v63  }
0xf7: {  	_ =	swait.ge [sflag:s6], $0x4000  }
0xf8: {  	[sflag:s6] =	ssyncset.done $0x0  }
0xf9: {  	[sflag:s6] =	ssyncadd.s32 $0xFFFFC000  }
0xfa: {  	[tilespmem:s8], [sflag:$0x3] =	stream.indirect.gather [spmem:s2], $0x80, s21, s11, $0xb8;
	[tilespmem:$0x11800] =	vst v63  }
0xfb: {  	_ =	swait.ge [sflag:s12], $0x4000  }
0xfc: {  	[sflag:s12] =	ssyncset.done $0x0  }
0xfd: {  	s0 =	rddreg [dreg:$0xe];
	[sflag:s12] =	ssyncadd.s32 $0xFFFFC000  }
0xfe: {  	[hbm4b:s0+s1] =	stream.linear.scatter [tilespmem:s3], [sflag:$0x8], $0x4000, $0x38;
	[tilespmem:$0x11800] =	vst v63  }
0xff: {  	_ =	swait.ge [sflag:s7], $0x4000  }
0x100: {  	[sflag:s7] =	ssyncset.done $0x0  }
0x101: {  	[sflag:s7] =	ssyncadd.s32 $0xFFFFC000  }
0x102: {  	[tilespmem:s3], [sflag:$0x4] =	stream.indirect.gather [spmem:s2], $0x80, s20, s11, $0xb8;
	[tilespmem:$0x11800] =	vst v63  }
0x103: {  	_ =	swait.ge [sflag:s14], $0x4000  }
0x104: {  	[sflag:s14] =	ssyncset.done $0x0  }
0x105: {  	s0 =	rddreg [dreg:$0xf];
	[sflag:s14] =	ssyncadd.s32 $0xFFFFC000  }
0x106: {  	[hbm4b:s0+s1] =	stream.linear.scatter [tilespmem:s10], [sflag:$0x5], $0x4000, $0x38;
	[tilespmem:$0x11800] =	vst v63  }
0x107: {  	_ =	swait.ge [sflag:s4], $0x4000  }
0x108: {  	[sflag:s4] =	ssyncset.done $0x0  }
0x109: {  	[sflag:s4] =	ssyncadd.s32 $0xFFFFC000  }
0x10a: {  	[tilespmem:s10], [sflag:$0x1] =	stream.indirect.gather [spmem:s2], $0x80, s19, s11, $0xb8;
	[tilespmem:$0x11800] =	vst v63  }
0x10b: {  	_ =	swait.ge [sflag:s15], $0x4000  }
0x10c: {  	[sflag:s15] =	ssyncset.done $0x0  }
0x10d: {  	s0 =	rddreg [dreg:$0x10];
	[sflag:s15] =	ssyncadd.s32 $0xFFFFC000  }
0x10e: {  	[hbm4b:s0+s1] =	stream.linear.scatter [tilespmem:s9], [sflag:$0x6], $0x4000, $0x38;
	[tilespmem:$0x11800] =	vst v63  }
0x10f: {  	_ =	swait.ge [sflag:s5], $0x4000  }
0x110: {  	[sflag:s5] =	ssyncset.done $0x0  }
0x111: {  	[sflag:s5] =	ssyncadd.s32 $0xFFFFC000  }
0x112: {  	[tilespmem:s9], [sflag:$0x2] =	stream.indirect.gather [spmem:s2], $0x80, s18, s11, $0xb8;
	[tilespmem:$0x11800] =	vst v63  }
0x113: {  	_ =	swait.ge [sflag:s13], $0x4000  }
0x114: {  	[sflag:s13] =	ssyncset.done $0x0  }
0x115: {  	s0 =	rddreg [dreg:$0x11];
	[sflag:s13] =	ssyncadd.s32 $0xFFFFC000  }
0x116: {  	[hbm4b:s0+s1] =	stream.linear.scatter [tilespmem:s8], [sflag:$0x7], $0x4000, $0x38;
	[tilespmem:$0x11800] =	vst v63  }
0x117: {  	_ =	swait.ge [sflag:s6], $0x4000  }
0x118: {  	[sflag:s6] =	ssyncset.done $0x0  }
0x119: {  	[sflag:s6] =	ssyncadd.s32 $0xFFFFC000  }
0x11a: {  	[tilespmem:s8], [sflag:$0x3] =	stream.indirect.gather [spmem:s2], $0x80, s17, s11, $0xb8;
	[tilespmem:$0x11800] =	vst v63  }
0x11b: {  	_ =	swait.ge [sflag:s12], $0x4000  }
0x11c: {  	[sflag:s12] =	ssyncset.done $0x0  }
0x11d: {  	s0 =	rddreg [dreg:$0x12];
	[sflag:s12] =	ssyncadd.s32 $0xFFFFC000  }
0x11e: {  	[hbm4b:s0+s1] =	stream.linear.scatter [tilespmem:s3], [sflag:$0x8], $0x4000, $0x38;
	[tilespmem:$0x11800] =	vst v63  }
0x11f: {  	_ =	swait.ge [sflag:s7], $0x4000  }
0x120: {  	[sflag:s7] =	ssyncset.done $0x0  }
0x121: {  	s16 =	simm.s32 $0x1780;
	[sflag:s7] =	ssyncadd.s32 $0xFFFFC000  }
0x122: {  	[tilespmem:s3], [sflag:$0x4] =	stream.indirect.gather [spmem:s2], $0x80, s16, s11, $0xb8;
	[tilespmem:$0x11800] =	vst v63  }
0x123: {  	_ =	swait.ge [sflag:s14], $0x4000  }
0x124: {  	[sflag:s14] =	ssyncset.done $0x0  }
0x125: {  	s16 =	rddreg [dreg:$0x13];
	[sflag:s14] =	ssyncadd.s32 $0xFFFFC000  }
0x126: {  	[hbm4b:s16+s1] =	stream.linear.scatter [tilespmem:s10], [sflag:$0x5], $0x4000, $0x38;
	[tilespmem:$0x11800] =	vst v63  }
0x127: {  	_ =	swait.ge [sflag:s15], $0x4000  }
0x128: {  	[sflag:s15] =	ssyncset.done $0x0  }
0x129: {  	s16 =	rddreg [dreg:$0x14];
	[sflag:s15] =	ssyncadd.s32 $0xFFFFC000  }
0x12a: {  	[hbm4b:s16+s1] =	stream.linear.scatter [tilespmem:s9], [sflag:$0x6], $0x4000, $0x38;
	[tilespmem:$0x11800] =	vst v63  }
0x12b: {  	_ =	swait.ge [sflag:s13], $0x4000  }
0x12c: {  	[sflag:s13] =	ssyncset.done $0x0  }
0x12d: {  	s16 =	rddreg [dreg:$0x15];
	[sflag:s13] =	ssyncadd.s32 $0xFFFFC000  }
0x12e: {  	[hbm4b:s16+s1] =	stream.linear.scatter [tilespmem:s8], [sflag:$0x7], $0x4000, $0x38;
	[tilespmem:$0x11800] =	vst v63  }
0x12f: {  	_ =	swait.ge [sflag:s12], $0x4000  }
0x130: {  	[sflag:s12] =	ssyncset.done $0x0  }
0x131: {  	s16 =	rddreg [dreg:$0x16];
	[sflag:s12] =	ssyncadd.s32 $0xFFFFC000  }
0x132: {  	[hbm4b:s16+s1] =	stream.linear.scatter [tilespmem:s3], [sflag:$0x8], $0x4000, $0x38;
	[tilespmem:$0x11800] =	vst v63  }
0x133: {  	_ =	swait.ge [sflag:s4], $0x4000  }
0x134: {  	[sflag:s4] =	ssyncset.done $0x0  }
0x135: {  	[sflag:s4] =	ssyncadd.s32 $0xFFFFC000  }
0x136: {  	_ =	swait.ge [sflag:s5], $0x4000  }
0x137: {  	s31 =	sadd.s32 $0xFFFFFFFF, s31;
	[sflag:s5] =	ssyncset.done $0x0  }
0x138: {  	p2 =	sne.s32 s31, $0x0;
	[sflag:s5] =	ssyncadd.s32 $0xFFFFC000  }
.Ltmp2:
0x139: {  	_ =	swait.ge [sflag:s6], $0x4000;
	(pc) =	sbr.rel @p2 .LBB2_4-.Ltmp2, $4  }
0x13a: {  	[sflag:s6] =	ssyncset.done $0x0  }
0x13b: {  	[sflag:s6] =	ssyncadd.s32 $0xFFFFC000  }
0x13c: {  	_ =	swait.ge [sflag:s7], $0x4000  }
0x13d: {  	s0 =	rddreg [dreg:$0x17];
	[sflag:s7] =	ssyncset.done $0x0  }
0x13e: {  	s31 =	simm.s32 $0x1780;
	s30 =	rddreg [dreg:$0x4]  }
.LBB2_6:
0x13f: {  	s16 =	rddreg [dreg:$0x5];
	[sflag:s7] =	ssyncadd.s32 @p1 $0xFFFFC000;
	s29 =	simm.s32 @!p0 $0x1C09  }
0x140: {  	[spmem:s0], [sflag:s29] =	dma.local @!p0 [hbm:s16], $0x2000  }
0x141: {  	s0 =	simm.s32 @!p0 $0x9  }
0x142: {  	_ =	swait.ge @!p0 [sflag:s0], $0x2000  }
0x143: {  	[sflag:s0] =	ssyncset.done @!p0 $0x0  }
0x144: {  	s29 =	rddreg [dreg:$0x6];
	[sflag:s0] =	ssyncadd.s32 @!p0 $0xFFFFE000  }
0x145: {  	[tilespmem:s26], [sflag:$0x9] =	stream.linear.gather [hbm4b:s29+s1], $0x800, $0x38;
	[tilespmem:$0x11800] =	vst v63  }
0x146: {  	_ =	swait.ge [sflag:s28], $0x800  }
0x147: {  	[sflag:s28] =	ssyncset.done $0x0  }
0x148: {  	[sflag:s28] =	ssyncadd.s32 $0xFFFFF800  }
0x149: {  	[bflag:$0x0] =	sbarrier.arrive $0xFFFF  }
0x14a: {  	[tilespmem:s10], [sflag:$0x1] =	stream.indirect.gather [spmem:s2], $0x80, s26, s11, $0xb8;
	[tilespmem:$0x11800] =	vst v63  }
0x14b: {  	s16 =	rddreg [dreg:$0x18]  }
0x14c: {  	[tilespmem:s9], [sflag:$0x2] =	stream.indirect.gather [spmem:s2], $0x80, s16, s11, $0xb8;
	[tilespmem:$0x11800] =	vst v63  }
0x14d: {  	s28 =	rddreg [dreg:$0x19]  }
0x14e: {  	[tilespmem:s8], [sflag:$0x3] =	stream.indirect.gather [spmem:s2], $0x80, s28, s11, $0xb8;
	[tilespmem:$0x11800] =	vst v63  }
0x14f: {  	s29 =	rddreg [dreg:$0x1a]  }
0x150: {  	[tilespmem:s3], [sflag:$0x4] =	stream.indirect.gather [spmem:s2], $0x80, s29, s11, $0xb8;
	[tilespmem:$0x11800] =	vst v63  }
0x151: {  	_ =	swait.ge [sflag:s14], $0x4000  }
0x152: {  	[sflag:s14] =	ssyncset.done $0x0  }
0x153: {  	s16 =	rddreg [dreg:$0x7];
	[sflag:s14] =	ssyncadd.s32 $0xFFFFC000  }
0x154: {  	[hbm4b:s16+s1] =	stream.linear.scatter [tilespmem:s10], [sflag:$0x5], $0x4000, $0x38;
	[tilespmem:$0x11800] =	vst v63  }
0x155: {  	_ =	swait.ge [sflag:s4], $0x4000  }
0x156: {  	[sflag:s4] =	ssyncset.done $0x0  }
0x157: {  	s26 =	rddreg [dreg:$0x1b];
	[sflag:s4] =	ssyncadd.s32 $0xFFFFC000  }
0x158: {  	[tilespmem:s10], [sflag:$0x1] =	stream.indirect.gather [spmem:s2], $0x80, s26, s11, $0xb8;
	[tilespmem:$0x11800] =	vst v63  }
0x159: {  	_ =	swait.ge [sflag:s15], $0x4000  }
0x15a: {  	[sflag:s15] =	ssyncset.done $0x0  }
0x15b: {  	s28 =	rddreg [dreg:$0x8];
	[sflag:s15] =	ssyncadd.s32 $0xFFFFC000  }
0x15c: {  	[hbm4b:s28+s1] =	stream.linear.scatter [tilespmem:s9], [sflag:$0x6], $0x4000, $0x38;
	[tilespmem:$0x11800] =	vst v63  }
0x15d: {  	_ =	swait.ge [sflag:s5], $0x4000  }
0x15e: {  	[sflag:s5] =	ssyncset.done $0x0  }
0x15f: {  	s29 =	rddreg [dreg:$0x1c];
	[sflag:s5] =	ssyncadd.s32 $0xFFFFC000  }
0x160: {  	[tilespmem:s9], [sflag:$0x2] =	stream.indirect.gather [spmem:s2], $0x80, s29, s11, $0xb8;
	[tilespmem:$0x11800] =	vst v63  }
0x161: {  	_ =	swait.ge [sflag:s13], $0x4000  }
0x162: {  	[sflag:s13] =	ssyncset.done $0x0  }
0x163: {  	s16 =	rddreg [dreg:$0x9];
	[sflag:s13] =	ssyncadd.s32 $0xFFFFC000  }
0x164: {  	[hbm4b:s16+s1] =	stream.linear.scatter [tilespmem:s8], [sflag:$0x7], $0x4000, $0x38;
	[tilespmem:$0x11800] =	vst v63  }
0x165: {  	_ =	swait.ge [sflag:s6], $0x4000  }
0x166: {  	[sflag:s6] =	ssyncset.done $0x0  }
0x167: {  	[sflag:s6] =	ssyncadd.s32 $0xFFFFC000  }
0x168: {  	[tilespmem:s8], [sflag:$0x3] =	stream.indirect.gather [spmem:s2], $0x80, s25, s11, $0xb8;
	[tilespmem:$0x11800] =	vst v63  }
0x169: {  	_ =	swait.ge [sflag:s12], $0x4000  }
0x16a: {  	[sflag:s12] =	ssyncset.done $0x0  }
0x16b: {  	s26 =	rddreg [dreg:$0xa];
	[sflag:s12] =	ssyncadd.s32 $0xFFFFC000  }
0x16c: {  	[hbm4b:s26+s1] =	stream.linear.scatter [tilespmem:s3], [sflag:$0x8], $0x4000, $0x38;
	[tilespmem:$0x11800] =	vst v63  }
0x16d: {  	_ =	swait.ge [sflag:s7], $0x4000  }
0x16e: {  	[sflag:s7] =	ssyncset.done $0x0  }
0x16f: {  	[sflag:s7] =	ssyncadd.s32 $0xFFFFC000  }
0x170: {  	[tilespmem:s3], [sflag:$0x4] =	stream.indirect.gather [spmem:s2], $0x80, s24, s11, $0xb8;
	[tilespmem:$0x11800] =	vst v63  }
0x171: {  	_ =	swait.ge [sflag:s14], $0x4000  }
0x172: {  	[sflag:s14] =	ssyncset.done $0x0  }
0x173: {  	s28 =	rddreg [dreg:$0xb];
	[sflag:s14] =	ssyncadd.s32 $0xFFFFC000  }
0x174: {  	[hbm4b:s28+s1] =	stream.linear.scatter [tilespmem:s10], [sflag:$0x5], $0x4000, $0x38;
	[tilespmem:$0x11800] =	vst v63  }
0x175: {  	_ =	swait.ge [sflag:s4], $0x4000  }
0x176: {  	[sflag:s4] =	ssyncset.done $0x0  }
0x177: {  	[sflag:s4] =	ssyncadd.s32 $0xFFFFC000  }
0x178: {  	[tilespmem:s10], [sflag:$0x1] =	stream.indirect.gather [spmem:s2], $0x80, s23, s11, $0xb8;
	[tilespmem:$0x11800] =	vst v63  }
0x179: {  	_ =	swait.ge [sflag:s15], $0x4000  }
0x17a: {  	[sflag:s15] =	ssyncset.done $0x0  }
0x17b: {  	s29 =	rddreg [dreg:$0xc];
	[sflag:s15] =	ssyncadd.s32 $0xFFFFC000  }
0x17c: {  	[hbm4b:s29+s1] =	stream.linear.scatter [tilespmem:s9], [sflag:$0x6], $0x4000, $0x38;
	[tilespmem:$0x11800] =	vst v63  }
0x17d: {  	_ =	swait.ge [sflag:s5], $0x4000  }
0x17e: {  	[sflag:s5] =	ssyncset.done $0x0  }
0x17f: {  	[sflag:s5] =	ssyncadd.s32 $0xFFFFC000  }
0x180: {  	[tilespmem:s9], [sflag:$0x2] =	stream.indirect.gather [spmem:s2], $0x80, s22, s11, $0xb8;
	[tilespmem:$0x11800] =	vst v63  }
0x181: {  	_ =	swait.ge [sflag:s13], $0x4000  }
0x182: {  	[sflag:s13] =	ssyncset.done $0x0  }
0x183: {  	s16 =	rddreg [dreg:$0xd];
	[sflag:s13] =	ssyncadd.s32 $0xFFFFC000  }
0x184: {  	[hbm4b:s16+s1] =	stream.linear.scatter [tilespmem:s8], [sflag:$0x7], $0x4000, $0x38;
	[tilespmem:$0x11800] =	vst v63  }
0x185: {  	_ =	swait.ge [sflag:s6], $0x4000  }
0x186: {  	[sflag:s6] =	ssyncset.done $0x0  }
0x187: {  	[sflag:s6] =	ssyncadd.s32 $0xFFFFC000  }
0x188: {  	[tilespmem:s8], [sflag:$0x3] =	stream.indirect.gather [spmem:s2], $0x80, s21, s11, $0xb8;
	[tilespmem:$0x11800] =	vst v63  }
0x189: {  	_ =	swait.ge [sflag:s12], $0x4000  }
0x18a: {  	[sflag:s12] =	ssyncset.done $0x0  }
0x18b: {  	s21 =	rddreg [dreg:$0xe];
	[sflag:s12] =	ssyncadd.s32 $0xFFFFC000  }
0x18c: {  	[hbm4b:s21+s1] =	stream.linear.scatter [tilespmem:s3], [sflag:$0x8], $0x4000, $0x38;
	[tilespmem:$0x11800] =	vst v63  }
0x18d: {  	_ =	swait.ge [sflag:s7], $0x4000  }
0x18e: {  	[sflag:s7] =	ssyncset.done $0x0  }
0x18f: {  	[sflag:s7] =	ssyncadd.s32 $0xFFFFC000  }
0x190: {  	[tilespmem:s3], [sflag:$0x4] =	stream.indirect.gather [spmem:s2], $0x80, s20, s11, $0xb8;
	[tilespmem:$0x11800] =	vst v63  }
0x191: {  	_ =	swait.ge [sflag:s14], $0x4000  }
0x192: {  	[sflag:s14] =	ssyncset.done $0x0  }
0x193: {  	s22 =	rddreg [dreg:$0xf];
	[sflag:s14] =	ssyncadd.s32 $0xFFFFC000  }
0x194: {  	[hbm4b:s22+s1] =	stream.linear.scatter [tilespmem:s10], [sflag:$0x5], $0x4000, $0x38;
	[tilespmem:$0x11800] =	vst v63  }
0x195: {  	_ =	swait.ge [sflag:s4], $0x4000  }
0x196: {  	[sflag:s4] =	ssyncset.done $0x0  }
0x197: {  	[sflag:s4] =	ssyncadd.s32 $0xFFFFC000  }
0x198: {  	[tilespmem:s10], [sflag:$0x1] =	stream.indirect.gather [spmem:s2], $0x80, s19, s11, $0xb8;
	[tilespmem:$0x11800] =	vst v63  }
0x199: {  	_ =	swait.ge [sflag:s15], $0x4000  }
0x19a: {  	[sflag:s15] =	ssyncset.done $0x0  }
0x19b: {  	s23 =	rddreg [dreg:$0x10];
	[sflag:s15] =	ssyncadd.s32 $0xFFFFC000  }
0x19c: {  	[hbm4b:s23+s1] =	stream.linear.scatter [tilespmem:s9], [sflag:$0x6], $0x4000, $0x38;
	[tilespmem:$0x11800] =	vst v63  }
0x19d: {  	_ =	swait.ge [sflag:s5], $0x4000  }
0x19e: {  	[sflag:s5] =	ssyncset.done $0x0  }
0x19f: {  	[sflag:s5] =	ssyncadd.s32 $0xFFFFC000  }
0x1a0: {  	[tilespmem:s9], [sflag:$0x2] =	stream.indirect.gather [spmem:s2], $0x80, s18, s11, $0xb8;
	[tilespmem:$0x11800] =	vst v63  }
0x1a1: {  	_ =	swait.ge [sflag:s13], $0x4000  }
0x1a2: {  	[sflag:s13] =	ssyncset.done $0x0  }
0x1a3: {  	s24 =	rddreg [dreg:$0x11];
	[sflag:s13] =	ssyncadd.s32 $0xFFFFC000  }
0x1a4: {  	[hbm4b:s24+s1] =	stream.linear.scatter [tilespmem:s8], [sflag:$0x7], $0x4000, $0x38;
	[tilespmem:$0x11800] =	vst v63  }
0x1a5: {  	_ =	swait.ge [sflag:s6], $0x4000  }
0x1a6: {  	[sflag:s6] =	ssyncset.done $0x0  }
0x1a7: {  	[sflag:s6] =	ssyncadd.s32 $0xFFFFC000  }
0x1a8: {  	[tilespmem:s8], [sflag:$0x3] =	stream.indirect.gather [spmem:s2], $0x80, s17, s11, $0xb8;
	[tilespmem:$0x11800] =	vst v63  }
0x1a9: {  	_ =	swait.ge [sflag:s12], $0x4000  }
0x1aa: {  	[sflag:s12] =	ssyncset.done $0x0  }
0x1ab: {  	s25 =	rddreg [dreg:$0x12];
	[sflag:s12] =	ssyncadd.s32 $0xFFFFC000  }
0x1ac: {  	[hbm4b:s25+s1] =	stream.linear.scatter [tilespmem:s3], [sflag:$0x8], $0x4000, $0x38;
	[tilespmem:$0x11800] =	vst v63  }
0x1ad: {  	_ =	swait.ge [sflag:s7], $0x4000  }
0x1ae: {  	[sflag:s7] =	ssyncset.done $0x0  }
0x1af: {  	[sflag:s7] =	ssyncadd.s32 $0xFFFFC000  }
0x1b0: {  	[tilespmem:s3], [sflag:$0x4] =	stream.indirect.gather [spmem:s2], $0x80, s31, s11, $0xb8;
	[tilespmem:$0x11800] =	vst v63  }
0x1b1: {  	_ =	swait.ge [sflag:s14], $0x4000  }
0x1b2: {  	[sflag:s14] =	ssyncset.done $0x0  }
0x1b3: {  	s26 =	rddreg [dreg:$0x13];
	[sflag:s14] =	ssyncadd.s32 $0xFFFFC000  }
0x1b4: {  	[hbm4b:s26+s1] =	stream.linear.scatter [tilespmem:s10], [sflag:$0x5], $0x4000, $0x38;
	[tilespmem:$0x11800] =	vst v63  }
0x1b5: {  	_ =	swait.ge [sflag:s15], $0x4000  }
0x1b6: {  	[sflag:s15] =	ssyncset.done $0x0  }
0x1b7: {  	s28 =	rddreg [dreg:$0x14];
	[sflag:s15] =	ssyncadd.s32 $0xFFFFC000  }
0x1b8: {  	[hbm4b:s28+s1] =	stream.linear.scatter [tilespmem:s9], [sflag:$0x6], $0x4000, $0x38;
	[tilespmem:$0x11800] =	vst v63  }
0x1b9: {  	_ =	swait.ge [sflag:s13], $0x4000  }
0x1ba: {  	[sflag:s13] =	ssyncset.done $0x0  }
0x1bb: {  	s29 =	rddreg [dreg:$0x15];
	[sflag:s13] =	ssyncadd.s32 $0xFFFFC000  }
0x1bc: {  	[hbm4b:s29+s1] =	stream.linear.scatter [tilespmem:s8], [sflag:$0x7], $0x4000, $0x38;
	[tilespmem:$0x11800] =	vst v63  }
0x1bd: {  	_ =	swait.ge [sflag:s12], $0x4000  }
0x1be: {  	[sflag:s12] =	ssyncset.done $0x0  }
0x1bf: {  	s31 =	rddreg [dreg:$0x16];
	[sflag:s12] =	ssyncadd.s32 $0xFFFFC000  }
0x1c0: {  	[hbm4b:s31+s1] =	stream.linear.scatter [tilespmem:s3], [sflag:$0x8], $0x4000, $0x38;
	[tilespmem:$0x11800] =	vst v63  }
0x1c1: {  	_ =	swait.ge [sflag:s4], $0x4000  }
0x1c2: {  	[sflag:s4] =	ssyncset.done $0x0  }
0x1c3: {  	[sflag:s4] =	ssyncadd.s32 $0xFFFFC000  }
0x1c4: {  	_ =	swait.ge [sflag:s5], $0x4000  }
0x1c5: {  	[sflag:s5] =	ssyncset.done $0x0  }
0x1c6: {  	[sflag:s5] =	ssyncadd.s32 $0xFFFFC000  }
0x1c7: {  	_ =	swait.ge [sflag:s6], $0x4000  }
0x1c8: {  	[sflag:s6] =	ssyncset.done $0x0  }
0x1c9: {  	[sflag:s6] =	ssyncadd.s32 $0xFFFFC000  }
0x1ca: {  	_ =	swait.ge [sflag:s7], $0x4000  }
0x1cb: {  	[sflag:s7] =	ssyncset.done $0x0  }
0x1cc: {  	[sflag:s7] =	ssyncadd.s32 $0xFFFFC000  }
0x1cd: {  	_ =	sfence.sel $0x180000  }
0x1ce: {  	[bflag:$0x0] =	sbarrier.arrive $0xFFFF  }
0x1cf: {  	_ =	strace $0x90000047  }
0x1d0: {  	s0 =	sadd.s32 @!p0 $0x100000, s30;
	[bflag:$0x2] =	sbarrier.arrive $0xFFFF  }
0x1d1: {  	[sflag:s0] =	ssyncadd.tile.s32 @!p0 $0x1;
	_ =	shalt  }
.LBB2_1:
.Ltmp3:
0x1d2: {  	(pc) =	sbr.rel .LBB2_6-.Ltmp3, $2  }
0x1d3: {  	_ =	sdelay $0x2  }
0x1d4: {  	s31 =	simm.s32 $0x1780  }
.LBB2_3:
.Ltmp4:
0x1d5: {  	(pc) =	sbr.rel .LBB2_6-.Ltmp4, $2  }
0x1d6: {  	_ =	sdelay $0x2  }
0x1d7: {  	s31 =	simm.s32 $0x1780;
	s30 =	rddreg [dreg:$0x4]  }
.Lfunc_end2:
_tile_overlayer_lowered:
.L_overlay_start_2:
0x1d8: {  	(tag) =	ssettag $0x2  }
0x1d9: {  	s0 =	rddreg [dreg:$0x0];
	s2 =	stileid.u32  }
0x1da: {  	s1 =	rddreg [dreg:$0x1];
	p0 =	sne.s32 s2, $0x0  }
0x1db: {  	s3 =	rddreg [dreg:$0x2];
	[bflag:$0x3] =	sbarrier.arrive $0xFFFF;
	s2 =	simm.s32 @!p0 $0x1C09  }
0x1dc: {  	[timem:s3], [sflag:s2] =	dma.local @!p0 [hbm:s0], s1  }
0x1dd: {  	s0 =	simm.s32 @!p0 $0x9  }
0x1de: {  	_ =	swait.ge @!p0 [sflag:s0], s1  }
0x1df: {  	s1 =	ssub.s32 @!p0 $0x0, s1;
	[sflag:s0] =	ssyncset.done @!p0 $0x0  }
0x1e0: {  	[sflag:s0] =	ssyncadd.s32 @!p0 s1  }
0x1e1: {  	[bflag:$0x3] =	sbarrier.arrive $0xFFFF  }
0x1e2: {  	_ =	shalt  }

</sc_bundles>
